<compile_context>
chip_gen: v7x
topology: tpu7x:2x2x1
jax: 0.10.2.dev20260603
libtpu: 0.0.44.dev20260713+nightly
codegen_flags: <defaults>
</compile_context>

<pallas_src>
import functools

import jax
import jax.numpy as jnp
from jax import lax
from jax.experimental import pallas as pl
from jax.experimental.pallas import tpu as pltpu
from jax.experimental.pallas import tpu_sc as plsc



def _bdot(a, b):
    return jnp.dot(a.astype(jnp.bfloat16), b.astype(jnp.bfloat16),
                   preferred_element_type=jnp.float32)


def _stage1_body(x0_ref, w1_ref, g_ref, b_ref, wx2_ref, u2_ref):
    h = _bdot(x0_ref[...], w1_ref[...])
    r = 1.0 / h.shape[0]
    mean = jnp.sum(h, axis=0, keepdims=True) * r
    var = jnp.sum(h * h, axis=0, keepdims=True) * r - mean * mean
    x1 = jnp.maximum(
        (h - mean) / jnp.sqrt(var + 1e-5) * g_ref[...] + b_ref[...], 0.0)
    u2_ref[...] = _bdot(x1, wx2_ref[...])


def _stage1(x0p, w1p, g1, b1, wx2):
    n, _ = x0p.shape
    d = wx2.shape[1]
    return pl.pallas_call(
        _stage1_body,
        out_shape=jax.ShapeDtypeStruct((n, d), jnp.float32),
        interpret=False,
    )(x0p, w1p, g1, b1, wx2)



def _fps_body(pf_ref, selp_ref, *, B, m, n8):
    m8 = m // 8
    gidx = (lax.broadcasted_iota(jnp.int32, (8, n8), 0) * n8
            + lax.broadcasted_iota(jnp.int32, (8, n8), 1)).astype(jnp.float32)
    gidxm = (lax.broadcasted_iota(jnp.int32, (8, m8), 0) * m8
             + lax.broadcasted_iota(jnp.int32, (8, m8), 1)).astype(jnp.float32)
    coords = [[pf_ref[b, c] for c in range(3)] for b in range(B)]

    def extract(b, nxtf):
        mk = gidx == nxtf
        return tuple(jnp.max(jnp.where(mk, coords[b][c], -1e30))
                     for c in range(3))

    def write_sel(b, i_f, cv):
        mk = gidxm == i_f
        for c in range(3):
            selp_ref[b, c] = jnp.where(mk, cv[c], selp_ref[b, c])

    lasts, dists = [], []
    for b in range(B):
        cv = extract(b, 0.0)
        write_sel(b, 0.0, cv)
        lasts.append(cv)
        dists.append(jnp.full((8, n8), 1e10, jnp.float32))

    def body(i, carry):
        lasts, dists = carry
        i_f = i.astype(jnp.float32)
        nl, nd = [], []
        for b in range(B):
            lx, ly, lz = lasts[b]
            dx = coords[b][0] - lx
            dy = coords[b][1] - ly
            dz = coords[b][2] - lz
            d = (dx * dx + dz * dz) + dy * dy
            dist = jnp.minimum(dists[b], d)
            maxv = jnp.max(dist)
            nxtf = jnp.min(jnp.where(dist == maxv, gidx, 1e30))
            cv = extract(b, nxtf)
            write_sel(b, i_f, cv)
            nl.append(cv)
            nd.append(dist)
        return (tuple(nl), tuple(nd))

    lax.fori_loop(1, m, body, (tuple(lasts), tuple(dists)))


def _fps(pfps, m):
    B = pfps.shape[0]
    n8 = pfps.shape[3]
    return pl.pallas_call(
        functools.partial(_fps_body, B=B, m=m, n8=n8),
        out_shape=jax.ShapeDtypeStruct((B, 3, 8, m // 8), jnp.float32),
        interpret=False,
    )(pfps)



def _knn_body(selc_ref, pref_ref, nbr_ref, *, n, Qb, npts):
    b = pl.program_id(0)
    q = selc_ref[0]
    qx, qy, qz = q[:, 0:1], q[:, 1:2], q[:, 2:3]
    px = pref_ref[0, 0:1, :]
    py = pref_ref[0, 1:2, :]
    pz = pref_ref[0, 2:3, :]
    dx = qx - px
    dy = qy - py
    dz = qz - pz
    d = (dx * dx + dz * dz) + dy * dy
    iot = lax.broadcasted_iota(jnp.int32, (1, n), 1).astype(jnp.float32)
    kiota = lax.broadcasted_iota(jnp.int32, (Qb, 16), 1)

    def body(k, carry):
        d, nbrf = carry
        minv = jnp.min(d, axis=1, keepdims=True)
        idxf = jnp.min(jnp.where(d == minv, iot, 1e30), axis=1, keepdims=True)
        d = jnp.where(iot == idxf, 1e30, d)
        nbrf = jnp.where(kiota == k, idxf, nbrf)
        return (d, nbrf)

    _, nbrf = lax.fori_loop(0, 16, body,
                            (d, jnp.zeros((Qb, 16), jnp.float32)))
    nbr_ref[0] = nbrf.astype(jnp.int32) + b * npts


def _knn(selc8, pref, m, n):
    B = selc8.shape[0]
    Qb = min(m, 256)
    grid = (B, m // Qb)
    return pl.pallas_call(
        functools.partial(_knn_body, n=n, Qb=Qb, npts=n),
        grid=grid,
        in_specs=[
            pl.BlockSpec((1, Qb, 8), lambda b, q: (b, q, 0)),
            pl.BlockSpec((1, 8, n), lambda b, q: (b, 0, 0)),
        ],
        out_specs=pl.BlockSpec((1, Qb, 16), lambda b, q: (b, q, 0)),
        out_shape=jax.ShapeDtypeStruct((B, m, 16), jnp.int32),
        interpret=False,
    )(selc8, pref)



def _sc_gather(table, idx, D):
    bidx = idx.shape[0]
    nw = 32
    bw = bidx // nw
    cs = min(128, bw)
    nch = bw // cs
    mesh = plsc.VectorSubcoreMesh(core_axis_name="c", subcore_axis_name="s")

    @functools.partial(
        pl.kernel,
        mesh=mesh,
        out_type=jax.ShapeDtypeStruct((bidx, D), jnp.float32),
        scratch_types=[
            pltpu.VMEM((cs,), jnp.int32),
            pltpu.VMEM((cs, D), jnp.float32),
            pltpu.SemaphoreType.DMA,
        ],
    )
    def gk(table_hbm, idx_hbm, out_hbm, idx_v, rows_v, sem):
        wid = lax.axis_index("s") * 2 + lax.axis_index("c")
        base = wid * bw
        for ch in range(nch):
            off = base + ch * cs
            pltpu.sync_copy(idx_hbm.at[pl.ds(off, cs)], idx_v)
            pltpu.async_copy(table_hbm.at[idx_v], rows_v, sem).wait()
            pltpu.sync_copy(rows_v, out_hbm.at[pl.ds(off, cs)])

    return gk(table, idx)



def _pool_body(g_ref, selc_ref, wp_ref, hmax_ref, hmin_ref, sums_ref, ssq_ref,
               *, D):
    g = g_ref[...]
    gx = g[:, :, :D]
    gc = g[:, :, D:D + 3]
    npc = selc_ref[...][:, 0:3][:, None, :]
    gp = (gc - npc).astype(jnp.bfloat16).astype(jnp.float32)
    wpb = wp_ref[...].astype(jnp.bfloat16).astype(jnp.float32)
    hp = (gp[:, :, 0:1] * wpb[0:1, :][None]
          + gp[:, :, 1:2] * wpb[1:2, :][None]
          + gp[:, :, 2:3] * wpb[2:3, :][None])
    h = gx + hp
    hmax_ref[...] = jnp.max(h, axis=1)
    hmin_ref[...] = jnp.min(h, axis=1)
    s1 = jnp.sum(jnp.sum(h, axis=1), axis=0, keepdims=True)
    s2 = jnp.sum(jnp.sum(h * h, axis=1), axis=0, keepdims=True)

    @pl.when(pl.program_id(0) == 0)
    def _():
        sums_ref[...] = s1
        ssq_ref[...] = s2

    @pl.when(pl.program_id(0) != 0)
    def _():
        sums_ref[...] += s1
        ssq_ref[...] += s2


def _pool(g3, selc2, wp):
    R = g3.shape[0]
    Dp = g3.shape[2]
    D = wp.shape[1]
    Qp = min(512, R)
    grid = (R // Qp,)
    return pl.pallas_call(
        functools.partial(_pool_body, D=D),
        grid=grid,
        in_specs=[
            pl.BlockSpec((Qp, 16, Dp), lambda i: (i, 0, 0)),
            pl.BlockSpec((Qp, 8), lambda i: (i, 0)),
            pl.BlockSpec((8, D), lambda i: (0, 0)),
        ],
        out_specs=[
            pl.BlockSpec((Qp, D), lambda i: (i, 0)),
            pl.BlockSpec((Qp, D), lambda i: (i, 0)),
            pl.BlockSpec((1, D), lambda i: (0, 0)),
            pl.BlockSpec((1, D), lambda i: (0, 0)),
        ],
        out_shape=[
            jax.ShapeDtypeStruct((R, D), jnp.float32),
            jax.ShapeDtypeStruct((R, D), jnp.float32),
            jax.ShapeDtypeStruct((1, D), jnp.float32),
            jax.ShapeDtypeStruct((1, D), jnp.float32),
        ],
        interpret=False,
    )(g3, selc2, wp)



def _fin_mid_body(hmax_ref, hmin_ref, sums_ref, ssq_ref, gam_ref, bet_ref,
                  wx_ref, out_ref, *, N):
    r = 1.0 / N
    mean = sums_ref[...] * r
    var = ssq_ref[...] * r - mean * mean
    inv = 1.0 / jnp.sqrt(var + 1e-5)
    gam = gam_ref[...]
    hsel = jnp.where(gam >= 0.0, hmax_ref[...], hmin_ref[...])
    xn = jnp.maximum((hsel - mean) * inv * gam + bet_ref[...], 0.0)
    out_ref[...] = _bdot(xn, wx_ref[...])


def _fin_last_body(hmax_ref, hmin_ref, sums_ref, ssq_ref, gam_ref, bet_ref,
                   out_ref, *, N):
    r = 1.0 / N
    mean = sums_ref[...] * r
    var = ssq_ref[...] * r - mean * mean
    inv = 1.0 / jnp.sqrt(var + 1e-5)
    gam = gam_ref[...]
    hsel = jnp.where(gam >= 0.0, hmax_ref[...], hmin_ref[...])
    out_ref[...] = jnp.maximum(
        (hsel - mean) * inv * gam + bet_ref[...], 0.0)


def _fin_mid(hmax, hmin, sums, ssq, gam, bet, wx_n):
    R = hmax.shape[0]
    Dn = wx_n.shape[1]
    N = R * 16
    return pl.pallas_call(
        functools.partial(_fin_mid_body, N=N),
        out_shape=jax.ShapeDtypeStruct((R, Dn), jnp.float32),
        interpret=False,
    )(hmax, hmin, sums, ssq, gam, bet, wx_n)


def _fin_last(hmax, hmin, sums, ssq, gam, bet):
    R, D = hmax.shape
    N = R * 16
    return pl.pallas_call(
        functools.partial(_fin_last_body, N=N),
        out_shape=jax.ShapeDtypeStruct((R, D), jnp.float32),
        interpret=False,
    )(hmax, hmin, sums, ssq, gam, bet)



def _table(ux, coords):
    D = ux.shape[1]
    Dp = -(-(D + 3) // 128) * 128
    return jnp.pad(jnp.concatenate([ux, coords], axis=1),
                   ((0, 0), (0, Dp - (D + 3))))


def _down_stage(pfps, pref, table, wp_s, m, n):
    B = pfps.shape[0]
    Dp = table.shape[1]
    selp = _fps(pfps, m)
    selc = jnp.swapaxes(selp.reshape(B, 3, m), 1, 2)
    selc8 = jnp.pad(selc, ((0, 0), (0, 0), (0, 5)))
    nbr = _knn(selc8, pref, m, n)
    g = _sc_gather(table, nbr.reshape(B * m * 16), Dp)
    selc2 = selc8.reshape(B * m, 8)
    hmax, hmin, sums, ssq = _pool(g.reshape(B * m, 16, Dp), selc2, wp_s)
    pref_next = jnp.swapaxes(selc8, 1, 2)
    return hmax, hmin, sums, ssq, selc.reshape(B * m, 3), selp, pref_next


def kernel(p, x, W1, g1, b1, W2, g2, b2, W3, g3, b3, W4, g4, b4, W5, g5, b5):
    B, N, _ = p.shape

    def padw(W):
        return jnp.pad(W[:3], ((0, 5), (0, 0))), W[3:]

    wp2, wx2 = padw(W2)
    wp3, wx3 = padw(W3)
    wp4, wx4 = padw(W4)
    wp5, wx5 = padw(W5)

    x0p = jnp.pad(jnp.concatenate([p, x], axis=-1).reshape(B * N, 6),
                  ((0, 0), (0, 2)))
    w1p = jnp.pad(W1, ((0, 2), (0, 0)))
    u2 = _stage1(x0p, w1p, g1.reshape(1, -1), b1.reshape(1, -1), wx2)

    pt = jnp.swapaxes(p, 1, 2)
    pfps = pt.reshape(B, 3, 8, N // 8)
    pref = jnp.pad(pt, ((0, 0), (0, 5), (0, 0)))

    dims = [(N, N // 4, 64), (N // 4, N // 16, 128),
            (N // 16, N // 64, 256), (N // 64, N // 256, 512)]
    gams = [g2, g3, g4, g5]
    bets = [b2, b3, b4, b5]
    wps = [wp2, wp3, wp4, wp5]
    wns = [wx3, wx4, wx5, None]

    table = _table(u2, p.reshape(B * N, 3))
    for s in range(4):
        n, m, D = dims[s]
        hmax, hmin, sums, ssq, selc3, selp, pref = _down_stage(
            pfps, pref, table, wps[s], m, n)
        gam = gams[s].reshape(1, -1)
        bet = bets[s].reshape(1, -1)
        if wns[s] is None:
            x5 = _fin_last(hmax, hmin, sums, ssq, gam, bet)
            return x5.reshape(B, m, D)
        u = _fin_mid(hmax, hmin, sums, ssq, gam, bet, wns[s])
        if s == 0:
            return u
        table = _table(u, selc3)
        pfps = selp

# --- scband reference (transcript-rebuilt; emitter-appended) ---
"""Pipeline reference for scband-point-mamba-enc-41420664602625 (READ-ONLY COPY).

The authoritative reference and input builder live on the scoring server;
editing this copy changes nothing except your own understanding.
"""

import jax, jax.numpy as jnp
import numpy as np


def fps(p, m):
    n = p.shape[0]
    def body(i, carry):
        dist, idxs = carry
        last = p[idxs[i - 1]]
        d = jnp.sum((p - last) ** 2, axis=1)
        dist = jnp.minimum(dist, d)
        nxt = jnp.argmax(dist).astype(jnp.int32)
        idxs = idxs.at[i].set(nxt)
        return (dist, idxs)
    dist0 = jnp.full((n,), 1e10, dtype=p.dtype)
    idxs0 = jnp.zeros((m,), dtype=jnp.int32)
    _, idxs = jax.lax.fori_loop(1, m, body, (dist0, idxs0))
    return idxs


def knn_idx(q, r, k):
    d = jnp.sum((q[:, None, :] - r[None, :, :]) ** 2, axis=-1)
    _, idx = jax.lax.top_k(-d, k)
    return idx


def bn_relu(x, gamma, beta, axes):
    mean = jnp.mean(x, axis=axes, keepdims=True)
    var = jnp.var(x, axis=axes, keepdims=True)
    xh = (x - mean) / jnp.sqrt(var + 1e-5)
    return jax.nn.relu(xh * gamma + beta)


def transition_down(p, x, W, gamma, beta, stride, nsample):
    if stride == 1:
        h = jnp.einsum('bnc,cd->bnd', x, W)
        return p, bn_relu(h, gamma, beta, (0, 1))
    m = p.shape[1] // stride
    idx = jax.vmap(lambda pb: fps(pb, m))(p)
    n_p = jnp.take_along_axis(p, idx[:, :, None], axis=1)
    nbr = jax.vmap(lambda qb, rb: knn_idx(qb, rb, nsample))(n_p, p)
    gp = jax.vmap(lambda pb, ib: pb[ib])(p, nbr) - n_p[:, :, None, :]
    gx = jax.vmap(lambda xb, ib: xb[ib])(x, nbr)
    feat = jnp.concatenate([gp, gx], axis=-1)
    h = jnp.einsum('bmkc,cd->bmkd', feat, W)
    h = bn_relu(h, gamma, beta, (0, 1, 2))
    return n_p, jnp.max(h, axis=2)


def setup_inputs(seed: int = 0):
    key = jax.random.key(seed)
    ks = jax.random.split(key, 8)
    B, N = 2, 8192
    p = jax.random.uniform(ks[0], (B, N, 3), dtype=jnp.float32)
    x = jax.random.normal(ks[1], (B, N, 3), dtype=jnp.float32)
    dims = [(6, 32), (35, 64), (67, 128), (131, 256), (259, 512)]
    inp = {"p": p, "x": x}
    for i, (ci, co) in enumerate(dims):
        inp["W%d" % (i + 1)] = jax.random.normal(ks[2 + i], (ci, co), dtype=jnp.float32) * (1.0 / np.sqrt(ci))
        inp["g%d" % (i + 1)] = jnp.ones((co,), dtype=jnp.float32)
        inp["b%d" % (i + 1)] = jnp.zeros((co,), dtype=jnp.float32)
    return inp


def reference(p, x, W1, g1, b1, W2, g2, b2, W3, g3, b3, W4, g4, b4, W5, g5, b5):
    # x0 = cat(p0, x0) since c == 6
    x0 = jnp.concatenate([p, x], axis=-1)
    p1, x1 = transition_down(p, x0, W1, g1, b1, 1, 8)
    p2, x2 = transition_down(p1, x1, W2, g2, b2, 4, 16)
    p3, x3 = transition_down(p2, x2, W3, g3, b3, 4, 16)
    p4, x4 = transition_down(p3, x3, W4, g4, b4, 4, 16)
    p5, x5 = transition_down(p4, x4, W5, g5, b5, 4, 16)
    # rearrange '(b n) d -> b n d' is implicit: batched layout kept throughout
    return x5

if __name__ == "__main__":
    import jax
    _d = setup_inputs()
    print(jax.jit(kernel)(*tuple(_d.values())))

</pallas_src>

<mosaic_0001>
#map = affine_map<(d0, d1) -> (0, 0)>
#map1 = affine_map<(d0, d1) -> (0)>
module attributes {stable_mosaic.version = 14 : i64} {
  func.func @gk(%arg0: i32, %arg1: i32, %arg2: memref<16384x128xf32, #tpu.memory_space<hbm>>, %arg3: memref<65536xi32, #tpu.memory_space<hbm>>, %arg4: memref<65536x128xf32, #tpu.memory_space<hbm>>, %arg5: memref<128xi32, #tpu.memory_space<vmem>>, %arg6: memref<128x128xf32, #tpu.memory_space<vmem>>, %arg7: memref<!tpu.dma_semaphore, #tpu.memory_space<semaphore_mem>>) attributes {dimension_semantics = [#tpu.dimension_semantics<core_parallel>, #tpu.dimension_semantics<subcore_parallel>], iteration_bounds = array<i64: 2, 16>, scalar_prefetch = 0 : i64, scratch_operands = 3 : i64, tpu.core_type = #tpu.core_type<sc_vector_subcore>, window_params = [{transform_indices = #map}, {transform_indices = #map1}, {transform_indices = #map}]} {
    %mul3A = arith.constant 2 : i32
    %mul3A_0 = arith.muli %arg1, %mul3A : i32
    %add3A = arith.addi %mul3A_0, %arg0 : i32
    %mul3A_1 = arith.constant 2048 : i32
    %mul3A_2 = arith.muli %add3A, %mul3A_1 : i32
    %add3A_3 = arith.constant 0 : i32
    %add3A_4 = arith.addi %mul3A_2, %add3A_3 : i32
    "tpu.region"() ({
      %run_scoped3A = tpu.sem_alloc : memref<!tpu.dma_semaphore, #tpu.memory_space<semaphore_mem>>
      %dma_start3A_129 = tpu.memref_slice %arg3[%add3A_4] : memref<65536xi32, #tpu.memory_space<hbm>> -> memref<128xi32, #tpu.memory_space<hbm>>
      %dma_start3A_130 = tpu.memref_slice %arg3[%add3A_4] : memref<65536xi32, #tpu.memory_space<hbm>> -> memref<128xi32, #tpu.memory_space<hbm>>
      tpu.enqueue_dma source(%dma_start3A_130 : memref<128xi32, #tpu.memory_space<hbm>>) target(%arg5 : memref<128xi32, #tpu.memory_space<vmem>>) target_semaphore(%run_scoped3A : memref<!tpu.dma_semaphore, #tpu.memory_space<semaphore_mem>>)
      %dma_wait3A_131 = tpu.memref_slice %arg3[%add3A_4] : memref<65536xi32, #tpu.memory_space<hbm>> -> memref<128xi32, #tpu.memory_space<hbm>>
      %dma_wait3A_132 = tpu.memref_slice %arg3[%add3A_4] : memref<65536xi32, #tpu.memory_space<hbm>> -> memref<128xi32, #tpu.memory_space<hbm>>
      tpu.wait_dma2 semaphore(%run_scoped3A : memref<!tpu.dma_semaphore, #tpu.memory_space<semaphore_mem>>) src(%dma_wait3A_132 : memref<128xi32, #tpu.memory_space<hbm>>) dst(%arg5 : memref<128xi32, #tpu.memory_space<vmem>>)
      tpu.yield
    }) : () -> ()
    %dma_start3A = arith.constant 0 : i32
    %dma_start3A_5 = arith.constant 0 : i32
    %dma_start3A_6 = tpu.memref_slice %arg2[%dma_start3A, %dma_start3A_5] : memref<16384x128xf32, #tpu.memory_space<hbm>> -> memref<16384x128xf32, #tpu.memory_space<hbm>>
    tpu.enqueue_indirect_dma source(%dma_start3A_6 : memref<16384x128xf32, #tpu.memory_space<hbm>>) target(%arg6 : memref<128x128xf32, #tpu.memory_space<vmem>>) offsets(%arg5 : memref<128xi32, #tpu.memory_space<vmem>>) semaphore(%arg7 : memref<!tpu.dma_semaphore, #tpu.memory_space<semaphore_mem>>)
    %dma_wait3A = arith.constant 0 : i32
    %dma_wait3A_7 = arith.constant 0 : i32
    %dma_wait3A_8 = tpu.memref_slice %arg2[%dma_wait3A, %dma_wait3A_7] : memref<16384x128xf32, #tpu.memory_space<hbm>> -> memref<16384x128xf32, #tpu.memory_space<hbm>>
    tpu.wait_indirect_dma semaphore(%arg7 : memref<!tpu.dma_semaphore, #tpu.memory_space<semaphore_mem>>) src(%dma_wait3A_8 : memref<16384x128xf32, #tpu.memory_space<hbm>>) dst(%arg6 : memref<128x128xf32, #tpu.memory_space<vmem>>)
    "tpu.region"() ({
      %run_scoped3A = tpu.sem_alloc : memref<!tpu.dma_semaphore, #tpu.memory_space<semaphore_mem>>
      %dma_start3A_129 = arith.constant 0 : i32
      %dma_start3A_130 = tpu.memref_slice %arg4[%add3A_4, %dma_start3A_129] : memref<65536x128xf32, #tpu.memory_space<hbm>> -> memref<128x128xf32, #tpu.memory_space<hbm>>
      %dma_start3A_131 = arith.constant 0 : i32
      %dma_start3A_132 = tpu.memref_slice %arg4[%add3A_4, %dma_start3A_131] : memref<65536x128xf32, #tpu.memory_space<hbm>> -> memref<128x128xf32, #tpu.memory_space<hbm>>
      tpu.enqueue_dma source(%arg6 : memref<128x128xf32, #tpu.memory_space<vmem>>) target(%dma_start3A_132 : memref<128x128xf32, #tpu.memory_space<hbm>>) target_semaphore(%run_scoped3A : memref<!tpu.dma_semaphore, #tpu.memory_space<semaphore_mem>>)
      %dma_wait3A_133 = arith.constant 0 : i32
      %dma_wait3A_134 = tpu.memref_slice %arg4[%add3A_4, %dma_wait3A_133] : memref<65536x128xf32, #tpu.memory_space<hbm>> -> memref<128x128xf32, #tpu.memory_space<hbm>>
      %dma_wait3A_135 = arith.constant 0 : i32
      %dma_wait3A_136 = tpu.memref_slice %arg4[%add3A_4, %dma_wait3A_135] : memref<65536x128xf32, #tpu.memory_space<hbm>> -> memref<128x128xf32, #tpu.memory_space<hbm>>
      tpu.wait_dma2 semaphore(%run_scoped3A : memref<!tpu.dma_semaphore, #tpu.memory_space<semaphore_mem>>) src(%arg6 : memref<128x128xf32, #tpu.memory_space<vmem>>) dst(%dma_wait3A_136 : memref<128x128xf32, #tpu.memory_space<hbm>>)
      tpu.yield
    }) : () -> ()
    %add3A_9 = arith.constant 128 : i32
    %add3A_10 = arith.addi %mul3A_2, %add3A_9 : i32
    "tpu.region"() ({
      %run_scoped3A = tpu.sem_alloc : memref<!tpu.dma_semaphore, #tpu.memory_space<semaphore_mem>>
      %dma_start3A_129 = tpu.memref_slice %arg3[%add3A_10] : memref<65536xi32, #tpu.memory_space<hbm>> -> memref<128xi32, #tpu.memory_space<hbm>>
      %dma_start3A_130 = tpu.memref_slice %arg3[%add3A_10] : memref<65536xi32, #tpu.memory_space<hbm>> -> memref<128xi32, #tpu.memory_space<hbm>>
      tpu.enqueue_dma source(%dma_start3A_130 : memref<128xi32, #tpu.memory_space<hbm>>) target(%arg5 : memref<128xi32, #tpu.memory_space<vmem>>) target_semaphore(%run_scoped3A : memref<!tpu.dma_semaphore, #tpu.memory_space<semaphore_mem>>)
      %dma_wait3A_131 = tpu.memref_slice %arg3[%add3A_10] : memref<65536xi32, #tpu.memory_space<hbm>> -> memref<128xi32, #tpu.memory_space<hbm>>
      %dma_wait3A_132 = tpu.memref_slice %arg3[%add3A_10] : memref<65536xi32, #tpu.memory_space<hbm>> -> memref<128xi32, #tpu.memory_space<hbm>>
      tpu.wait_dma2 semaphore(%run_scoped3A : memref<!tpu.dma_semaphore, #tpu.memory_space<semaphore_mem>>) src(%dma_wait3A_132 : memref<128xi32, #tpu.memory_space<hbm>>) dst(%arg5 : memref<128xi32, #tpu.memory_space<vmem>>)
      tpu.yield
    }) : () -> ()
    %dma_start3A_11 = arith.constant 0 : i32
    %dma_start3A_12 = arith.constant 0 : i32
    %dma_start3A_13 = tpu.memref_slice %arg2[%dma_start3A_11, %dma_start3A_12] : memref<16384x128xf32, #tpu.memory_space<hbm>> -> memref<16384x128xf32, #tpu.memory_space<hbm>>
    tpu.enqueue_indirect_dma source(%dma_start3A_13 : memref<16384x128xf32, #tpu.memory_space<hbm>>) target(%arg6 : memref<128x128xf32, #tpu.memory_space<vmem>>) offsets(%arg5 : memref<128xi32, #tpu.memory_space<vmem>>) semaphore(%arg7 : memref<!tpu.dma_semaphore, #tpu.memory_space<semaphore_mem>>)
    %dma_wait3A_14 = arith.constant 0 : i32
    %dma_wait3A_15 = arith.constant 0 : i32
    %dma_wait3A_16 = tpu.memref_slice %arg2[%dma_wait3A_14, %dma_wait3A_15] : memref<16384x128xf32, #tpu.memory_space<hbm>> -> memref<16384x128xf32, #tpu.memory_space<hbm>>
    tpu.wait_indirect_dma semaphore(%arg7 : memref<!tpu.dma_semaphore, #tpu.memory_space<semaphore_mem>>) src(%dma_wait3A_16 : memref<16384x128xf32, #tpu.memory_space<hbm>>) dst(%arg6 : memref<128x128xf32, #tpu.memory_space<vmem>>)
    "tpu.region"() ({
      %run_scoped3A = tpu.sem_alloc : memref<!tpu.dma_semaphore, #tpu.memory_space<semaphore_mem>>
      %dma_start3A_129 = arith.constant 0 : i32
      %dma_start3A_130 = tpu.memref_slice %arg4[%add3A_10, %dma_start3A_129] : memref<65536x128xf32, #tpu.memory_space<hbm>> -> memref<128x128xf32, #tpu.memory_space<hbm>>
      %dma_start3A_131 = arith.constant 0 : i32
      %dma_start3A_132 = tpu.memref_slice %arg4[%add3A_10, %dma_start3A_131] : memref<65536x128xf32, #tpu.memory_space<hbm>> -> memref<128x128xf32, #tpu.memory_space<hbm>>
      tpu.enqueue_dma source(%arg6 : memref<128x128xf32, #tpu.memory_space<vmem>>) target(%dma_start3A_132 : memref<128x128xf32, #tpu.memory_space<hbm>>) target_semaphore(%run_scoped3A : memref<!tpu.dma_semaphore, #tpu.memory_space<semaphore_mem>>)
      %dma_wait3A_133 = arith.constant 0 : i32
      %dma_wait3A_134 = tpu.memref_slice %arg4[%add3A_10, %dma_wait3A_133] : memref<65536x128xf32, #tpu.memory_space<hbm>> -> memref<128x128xf32, #tpu.memory_space<hbm>>
      %dma_wait3A_135 = arith.constant 0 : i32
      %dma_wait3A_136 = tpu.memref_slice %arg4[%add3A_10, %dma_wait3A_135] : memref<65536x128xf32, #tpu.memory_space<hbm>> -> memref<128x128xf32, #tpu.memory_space<hbm>>
      tpu.wait_dma2 semaphore(%run_scoped3A : memref<!tpu.dma_semaphore, #tpu.memory_space<semaphore_mem>>) src(%arg6 : memref<128x128xf32, #tpu.memory_space<vmem>>) dst(%dma_wait3A_136 : memref<128x128xf32, #tpu.memory_space<hbm>>)
      tpu.yield
    }) : () -> ()
    %add3A_17 = arith.constant 256 : i32
    %add3A_18 = arith.addi %mul3A_2, %add3A_17 : i32
    "tpu.region"() ({
      %run_scoped3A = tpu.sem_alloc : memref<!tpu.dma_semaphore, #tpu.memory_space<semaphore_mem>>
      %dma_start3A_129 = tpu.memref_slice %arg3[%add3A_18] : memref<65536xi32, #tpu.memory_space<hbm>> -> memref<128xi32, #tpu.memory_space<hbm>>
      %dma_start3A_130 = tpu.memref_slice %arg3[%add3A_18] : memref<65536xi32, #tpu.memory_space<hbm>> -> memref<128xi32, #tpu.memory_space<hbm>>
      tpu.enqueue_dma source(%dma_start3A_130 : memref<128xi32, #tpu.memory_space<hbm>>) target(%arg5 : memref<128xi32, #tpu.memory_space<vmem>>) target_semaphore(%run_scoped3A : memref<!tpu.dma_semaphore, #tpu.memory_space<semaphore_mem>>)
      %dma_wait3A_131 = tpu.memref_slice %arg3[%add3A_18] : memref<65536xi32, #tpu.memory_space<hbm>> -> memref<128xi32, #tpu.memory_space<hbm>>
      %dma_wait3A_132 = tpu.memref_slice %arg3[%add3A_18] : memref<65536xi32, #tpu.memory_space<hbm>> -> memref<128xi32, #tpu.memory_space<hbm>>
      tpu.wait_dma2 semaphore(%run_scoped3A : memref<!tpu.dma_semaphore, #tpu.memory_space<semaphore_mem>>) src(%dma_wait3A_132 : memref<128xi32, #tpu.memory_space<hbm>>) dst(%arg5 : memref<128xi32, #tpu.memory_space<vmem>>)
      tpu.yield
    }) : () -> ()
    %dma_start3A_19 = arith.constant 0 : i32
    %dma_start3A_20 = arith.constant 0 : i32
    %dma_start3A_21 = tpu.memref_slice %arg2[%dma_start3A_19, %dma_start3A_20] : memref<16384x128xf32, #tpu.memory_space<hbm>> -> memref<16384x128xf32, #tpu.memory_space<hbm>>
    tpu.enqueue_indirect_dma source(%dma_start3A_21 : memref<16384x128xf32, #tpu.memory_space<hbm>>) target(%arg6 : memref<128x128xf32, #tpu.memory_space<vmem>>) offsets(%arg5 : memref<128xi32, #tpu.memory_space<vmem>>) semaphore(%arg7 : memref<!tpu.dma_semaphore, #tpu.memory_space<semaphore_mem>>)
    %dma_wait3A_22 = arith.constant 0 : i32
    %dma_wait3A_23 = arith.constant 0 : i32
    %dma_wait3A_24 = tpu.memref_slice %arg2[%dma_wait3A_22, %dma_wait3A_23] : memref<16384x128xf32, #tpu.memory_space<hbm>> -> memref<16384x128xf32, #tpu.memory_space<hbm>>
    tpu.wait_indirect_dma semaphore(%arg7 : memref<!tpu.dma_semaphore, #tpu.memory_space<semaphore_mem>>) src(%dma_wait3A_24 : memref<16384x128xf32, #tpu.memory_space<hbm>>) dst(%arg6 : memref<128x128xf32, #tpu.memory_space<vmem>>)
    "tpu.region"() ({
      %run_scoped3A = tpu.sem_alloc : memref<!tpu.dma_semaphore, #tpu.memory_space<semaphore_mem>>
      %dma_start3A_129 = arith.constant 0 : i32
      %dma_start3A_130 = tpu.memref_slice %arg4[%add3A_18, %dma_start3A_129] : memref<65536x128xf32, #tpu.memory_space<hbm>> -> memref<128x128xf32, #tpu.memory_space<hbm>>
      %dma_start3A_131 = arith.constant 0 : i32
      %dma_start3A_132 = tpu.memref_slice %arg4[%add3A_18, %dma_start3A_131] : memref<65536x128xf32, #tpu.memory_space<hbm>> -> memref<128x128xf32, #tpu.memory_space<hbm>>
      tpu.enqueue_dma source(%arg6 : memref<128x128xf32, #tpu.memory_space<vmem>>) target(%dma_start3A_132 : memref<128x128xf32, #tpu.memory_space<hbm>>) target_semaphore(%run_scoped3A : memref<!tpu.dma_semaphore, #tpu.memory_space<semaphore_mem>>)
      %dma_wait3A_133 = arith.constant 0 : i32
      %dma_wait3A_134 = tpu.memref_slice %arg4[%add3A_18, %dma_wait3A_133] : memref<65536x128xf32, #tpu.memory_space<hbm>> -> memref<128x128xf32, #tpu.memory_space<hbm>>
      %dma_wait3A_135 = arith.constant 0 : i32
      %dma_wait3A_136 = tpu.memref_slice %arg4[%add3A_18, %dma_wait3A_135] : memref<65536x128xf32, #tpu.memory_space<hbm>> -> memref<128x128xf32, #tpu.memory_space<hbm>>
      tpu.wait_dma2 semaphore(%run_scoped3A : memref<!tpu.dma_semaphore, #tpu.memory_space<semaphore_mem>>) src(%arg6 : memref<128x128xf32, #tpu.memory_space<vmem>>) dst(%dma_wait3A_136 : memref<128x128xf32, #tpu.memory_space<hbm>>)
      tpu.yield
    }) : () -> ()
    %add3A_25 = arith.constant 384 : i32
    %add3A_26 = arith.addi %mul3A_2, %add3A_25 : i32
    "tpu.region"() ({
      %run_scoped3A = tpu.sem_alloc : memref<!tpu.dma_semaphore, #tpu.memory_space<semaphore_mem>>
      %dma_start3A_129 = tpu.memref_slice %arg3[%add3A_26] : memref<65536xi32, #tpu.memory_space<hbm>> -> memref<128xi32, #tpu.memory_space<hbm>>
      %dma_start3A_130 = tpu.memref_slice %arg3[%add3A_26] : memref<65536xi32, #tpu.memory_space<hbm>> -> memref<128xi32, #tpu.memory_space<hbm>>
      tpu.enqueue_dma source(%dma_start3A_130 : memref<128xi32, #tpu.memory_space<hbm>>) target(%arg5 : memref<128xi32, #tpu.memory_space<vmem>>) target_semaphore(%run_scoped3A : memref<!tpu.dma_semaphore, #tpu.memory_space<semaphore_mem>>)
      %dma_wait3A_131 = tpu.memref_slice %arg3[%add3A_26] : memref<65536xi32, #tpu.memory_space<hbm>> -> memref<128xi32, #tpu.memory_space<hbm>>
      %dma_wait3A_132 = tpu.memref_slice %arg3[%add3A_26] : memref<65536xi32, #tpu.memory_space<hbm>> -> memref<128xi32, #tpu.memory_space<hbm>>
      tpu.wait_dma2 semaphore(%run_scoped3A : memref<!tpu.dma_semaphore, #tpu.memory_space<semaphore_mem>>) src(%dma_wait3A_132 : memref<128xi32, #tpu.memory_space<hbm>>) dst(%arg5 : memref<128xi32, #tpu.memory_space<vmem>>)
      tpu.yield
    }) : () -> ()
    %dma_start3A_27 = arith.constant 0 : i32
    %dma_start3A_28 = arith.constant 0 : i32
    %dma_start3A_29 = tpu.memref_slice %arg2[%dma_start3A_27, %dma_start3A_28] : memref<16384x128xf32, #tpu.memory_space<hbm>> -> memref<16384x128xf32, #tpu.memory_space<hbm>>
    tpu.enqueue_indirect_dma source(%dma_start3A_29 : memref<16384x128xf32, #tpu.memory_space<hbm>>) target(%arg6 : memref<128x128xf32, #tpu.memory_space<vmem>>) offsets(%arg5 : memref<128xi32, #tpu.memory_space<vmem>>) semaphore(%arg7 : memref<!tpu.dma_semaphore, #tpu.memory_space<semaphore_mem>>)
    %dma_wait3A_30 = arith.constant 0 : i32
    %dma_wait3A_31 = arith.constant 0 : i32
    %dma_wait3A_32 = tpu.memref_slice %arg2[%dma_wait3A_30, %dma_wait3A_31] : memref<16384x128xf32, #tpu.memory_space<hbm>> -> memref<16384x128xf32, #tpu.memory_space<hbm>>
    tpu.wait_indirect_dma semaphore(%arg7 : memref<!tpu.dma_semaphore, #tpu.memory_space<semaphore_mem>>) src(%dma_wait3A_32 : memref<16384x128xf32, #tpu.memory_space<hbm>>) dst(%arg6 : memref<128x128xf32, #tpu.memory_space<vmem>>)
    "tpu.region"() ({
      %run_scoped3A = tpu.sem_alloc : memref<!tpu.dma_semaphore, #tpu.memory_space<semaphore_mem>>
      %dma_start3A_129 = arith.constant 0 : i32
      %dma_start3A_130 = tpu.memref_slice %arg4[%add3A_26, %dma_start3A_129] : memref<65536x128xf32, #tpu.memory_space<hbm>> -> memref<128x128xf32, #tpu.memory_space<hbm>>
      %dma_start3A_131 = arith.constant 0 : i32
      %dma_start3A_132 = tpu.memref_slice %arg4[%add3A_26, %dma_start3A_131] : memref<65536x128xf32, #tpu.memory_space<hbm>> -> memref<128x128xf32, #tpu.memory_space<hbm>>
      tpu.enqueue_dma source(%arg6 : memref<128x128xf32, #tpu.memory_space<vmem>>) target(%dma_start3A_132 : memref<128x128xf32, #tpu.memory_space<hbm>>) target_semaphore(%run_scoped3A : memref<!tpu.dma_semaphore, #tpu.memory_space<semaphore_mem>>)
      %dma_wait3A_133 = arith.constant 0 : i32
      %dma_wait3A_134 = tpu.memref_slice %arg4[%add3A_26, %dma_wait3A_133] : memref<65536x128xf32, #tpu.memory_space<hbm>> -> memref<128x128xf32, #tpu.memory_space<hbm>>
      %dma_wait3A_135 = arith.constant 0 : i32
      %dma_wait3A_136 = tpu.memref_slice %arg4[%add3A_26, %dma_wait3A_135] : memref<65536x128xf32, #tpu.memory_space<hbm>> -> memref<128x128xf32, #tpu.memory_space<hbm>>
      tpu.wait_dma2 semaphore(%run_scoped3A : memref<!tpu.dma_semaphore, #tpu.memory_space<semaphore_mem>>) src(%arg6 : memref<128x128xf32, #tpu.memory_space<vmem>>) dst(%dma_wait3A_136 : memref<128x128xf32, #tpu.memory_space<hbm>>)
      tpu.yield
    }) : () -> ()
    %add3A_33 = arith.constant 512 : i32
    %add3A_34 = arith.addi %mul3A_2, %add3A_33 : i32
    "tpu.region"() ({
      %run_scoped3A = tpu.sem_alloc : memref<!tpu.dma_semaphore, #tpu.memory_space<semaphore_mem>>
      %dma_start3A_129 = tpu.memref_slice %arg3[%add3A_34] : memref<65536xi32, #tpu.memory_space<hbm>> -> memref<128xi32, #tpu.memory_space<hbm>>
      %dma_start3A_130 = tpu.memref_slice %arg3[%add3A_34] : memref<65536xi32, #tpu.memory_space<hbm>> -> memref<128xi32, #tpu.memory_space<hbm>>
      tpu.enqueue_dma source(%dma_start3A_130 : memref<128xi32, #tpu.memory_space<hbm>>) target(%arg5 : memref<128xi32, #tpu.memory_space<vmem>>) target_semaphore(%run_scoped3A : memref<!tpu.dma_semaphore, #tpu.memory_space<semaphore_mem>>)
      %dma_wait3A_131 = tpu.memref_slice %arg3[%add3A_34] : memref<65536xi32, #tpu.memory_space<hbm>> -> memref<128xi32, #tpu.memory_space<hbm>>
      %dma_wait3A_132 = tpu.memref_slice %arg3[%add3A_34] : memref<65536xi32, #tpu.memory_space<hbm>> -> memref<128xi32, #tpu.memory_space<hbm>>
      tpu.wait_dma2 semaphore(%run_scoped3A : memref<!tpu.dma_semaphore, #tpu.memory_space<semaphore_mem>>) src(%dma_wait3A_132 : memref<128xi32, #tpu.memory_space<hbm>>) dst(%arg5 : memref<128xi32, #tpu.memory_space<vmem>>)
      tpu.yield
    }) : () -> ()
    %dma_start3A_35 = arith.constant 0 : i32
    %dma_start3A_36 = arith.constant 0 : i32
    %dma_start3A_37 = tpu.memref_slice %arg2[%dma_start3A_35, %dma_start3A_36] : memref<16384x128xf32, #tpu.memory_space<hbm>> -> memref<16384x128xf32, #tpu.memory_space<hbm>>
    tpu.enqueue_indirect_dma source(%dma_start3A_37 : memref<16384x128xf32, #tpu.memory_space<hbm>>) target(%arg6 : memref<128x128xf32, #tpu.memory_space<vmem>>) offsets(%arg5 : memref<128xi32, #tpu.memory_space<vmem>>) semaphore(%arg7 : memref<!tpu.dma_semaphore, #tpu.memory_space<semaphore_mem>>)
    %dma_wait3A_38 = arith.constant 0 : i32
    %dma_wait3A_39 = arith.constant 0 : i32
    %dma_wait3A_40 = tpu.memref_slice %arg2[%dma_wait3A_38, %dma_wait3A_39] : memref<16384x128xf32, #tpu.memory_space<hbm>> -> memref<16384x128xf32, #tpu.memory_space<hbm>>
    tpu.wait_indirect_dma semaphore(%arg7 : memref<!tpu.dma_semaphore, #tpu.memory_space<semaphore_mem>>) src(%dma_wait3A_40 : memref<16384x128xf32, #tpu.memory_space<hbm>>) dst(%arg6 : memref<128x128xf32, #tpu.memory_space<vmem>>)
    "tpu.region"() ({
      %run_scoped3A = tpu.sem_alloc : memref<!tpu.dma_semaphore, #tpu.memory_space<semaphore_mem>>
      %dma_start3A_129 = arith.constant 0 : i32
      %dma_start3A_130 = tpu.memref_slice %arg4[%add3A_34, %dma_start3A_129] : memref<65536x128xf32, #tpu.memory_space<hbm>> -> memref<128x128xf32, #tpu.memory_space<hbm>>
      %dma_start3A_131 = arith.constant 0 : i32
      %dma_start3A_132 = tpu.memref_slice %arg4[%add3A_34, %dma_start3A_131] : memref<65536x128xf32, #tpu.memory_space<hbm>> -> memref<128x128xf32, #tpu.memory_space<hbm>>
      tpu.enqueue_dma source(%arg6 : memref<128x128xf32, #tpu.memory_space<vmem>>) target(%dma_start3A_132 : memref<128x128xf32, #tpu.memory_space<hbm>>) target_semaphore(%run_scoped3A : memref<!tpu.dma_semaphore, #tpu.memory_space<semaphore_mem>>)
      %dma_wait3A_133 = arith.constant 0 : i32
      %dma_wait3A_134 = tpu.memref_slice %arg4[%add3A_34, %dma_wait3A_133] : memref<65536x128xf32, #tpu.memory_space<hbm>> -> memref<128x128xf32, #tpu.memory_space<hbm>>
      %dma_wait3A_135 = arith.constant 0 : i32
      %dma_wait3A_136 = tpu.memref_slice %arg4[%add3A_34, %dma_wait3A_135] : memref<65536x128xf32, #tpu.memory_space<hbm>> -> memref<128x128xf32, #tpu.memory_space<hbm>>
      tpu.wait_dma2 semaphore(%run_scoped3A : memref<!tpu.dma_semaphore, #tpu.memory_space<semaphore_mem>>) src(%arg6 : memref<128x128xf32, #tpu.memory_space<vmem>>) dst(%dma_wait3A_136 : memref<128x128xf32, #tpu.memory_space<hbm>>)
      tpu.yield
    }) : () -> ()
    %add3A_41 = arith.constant 640 : i32
    %add3A_42 = arith.addi %mul3A_2, %add3A_41 : i32
    "tpu.region"() ({
      %run_scoped3A = tpu.sem_alloc : memref<!tpu.dma_semaphore, #tpu.memory_space<semaphore_mem>>
      %dma_start3A_129 = tpu.memref_slice %arg3[%add3A_42] : memref<65536xi32, #tpu.memory_space<hbm>> -> memref<128xi32, #tpu.memory_space<hbm>>
      %dma_start3A_130 = tpu.memref_slice %arg3[%add3A_42] : memref<65536xi32, #tpu.memory_space<hbm>> -> memref<128xi32, #tpu.memory_space<hbm>>
      tpu.enqueue_dma source(%dma_start3A_130 : memref<128xi32, #tpu.memory_space<hbm>>) target(%arg5 : memref<128xi32, #tpu.memory_space<vmem>>) target_semaphore(%run_scoped3A : memref<!tpu.dma_semaphore, #tpu.memory_space<semaphore_mem>>)
      %dma_wait3A_131 = tpu.memref_slice %arg3[%add3A_42] : memref<65536xi32, #tpu.memory_space<hbm>> -> memref<128xi32, #tpu.memory_space<hbm>>
      %dma_wait3A_132 = tpu.memref_slice %arg3[%add3A_42] : memref<65536xi32, #tpu.memory_space<hbm>> -> memref<128xi32, #tpu.memory_space<hbm>>
      tpu.wait_dma2 semaphore(%run_scoped3A : memref<!tpu.dma_semaphore, #tpu.memory_space<semaphore_mem>>) src(%dma_wait3A_132 : memref<128xi32, #tpu.memory_space<hbm>>) dst(%arg5 : memref<128xi32, #tpu.memory_space<vmem>>)
      tpu.yield
    }) : () -> ()
    %dma_start3A_43 = arith.constant 0 : i32
    %dma_start3A_44 = arith.constant 0 : i32
    %dma_start3A_45 = tpu.memref_slice %arg2[%dma_start3A_43, %dma_start3A_44] : memref<16384x128xf32, #tpu.memory_space<hbm>> -> memref<16384x128xf32, #tpu.memory_space<hbm>>
    tpu.enqueue_indirect_dma source(%dma_start3A_45 : memref<16384x128xf32, #tpu.memory_space<hbm>>) target(%arg6 : memref<128x128xf32, #tpu.memory_space<vmem>>) offsets(%arg5 : memref<128xi32, #tpu.memory_space<vmem>>) semaphore(%arg7 : memref<!tpu.dma_semaphore, #tpu.memory_space<semaphore_mem>>)
    %dma_wait3A_46 = arith.constant 0 : i32
    %dma_wait3A_47 = arith.constant 0 : i32
    %dma_wait3A_48 = tpu.memref_slice %arg2[%dma_wait3A_46, %dma_wait3A_47] : memref<16384x128xf32, #tpu.memory_space<hbm>> -> memref<16384x128xf32, #tpu.memory_space<hbm>>
    tpu.wait_indirect_dma semaphore(%arg7 : memref<!tpu.dma_semaphore, #tpu.memory_space<semaphore_mem>>) src(%dma_wait3A_48 : memref<16384x128xf32, #tpu.memory_space<hbm>>) dst(%arg6 : memref<128x128xf32, #tpu.memory_space<vmem>>)
    "tpu.region"() ({
      %run_scoped3A = tpu.sem_alloc : memref<!tpu.dma_semaphore, #tpu.memory_space<semaphore_mem>>
      %dma_start3A_129 = arith.constant 0 : i32
      %dma_start3A_130 = tpu.memref_slice %arg4[%add3A_42, %dma_start3A_129] : memref<65536x128xf32, #tpu.memory_space<hbm>> -> memref<128x128xf32, #tpu.memory_space<hbm>>
      %dma_start3A_131 = arith.constant 0 : i32
      %dma_start3A_132 = tpu.memref_slice %arg4[%add3A_42, %dma_start3A_131] : memref<65536x128xf32, #tpu.memory_space<hbm>> -> memref<128x128xf32, #tpu.memory_space<hbm>>
      tpu.enqueue_dma source(%arg6 : memref<128x128xf32, #tpu.memory_space<vmem>>) target(%dma_start3A_132 : memref<128x128xf32, #tpu.memory_space<hbm>>) target_semaphore(%run_scoped3A : memref<!tpu.dma_semaphore, #tpu.memory_space<semaphore_mem>>)
      %dma_wait3A_133 = arith.constant 0 : i32
      %dma_wait3A_134 = tpu.memref_slice %arg4[%add3A_42, %dma_wait3A_133] : memref<65536x128xf32, #tpu.memory_space<hbm>> -> memref<128x128xf32, #tpu.memory_space<hbm>>
      %dma_wait3A_135 = arith.constant 0 : i32
      %dma_wait3A_136 = tpu.memref_slice %arg4[%add3A_42, %dma_wait3A_135] : memref<65536x128xf32, #tpu.memory_space<hbm>> -> memref<128x128xf32, #tpu.memory_space<hbm>>
      tpu.wait_dma2 semaphore(%run_scoped3A : memref<!tpu.dma_semaphore, #tpu.memory_space<semaphore_mem>>) src(%arg6 : memref<128x128xf32, #tpu.memory_space<vmem>>) dst(%dma_wait3A_136 : memref<128x128xf32, #tpu.memory_space<hbm>>)
      tpu.yield
    }) : () -> ()
    %add3A_49 = arith.constant 768 : i32
    %add3A_50 = arith.addi %mul3A_2, %add3A_49 : i32
    "tpu.region"() ({
      %run_scoped3A = tpu.sem_alloc : memref<!tpu.dma_semaphore, #tpu.memory_space<semaphore_mem>>
      %dma_start3A_129 = tpu.memref_slice %arg3[%add3A_50] : memref<65536xi32, #tpu.memory_space<hbm>> -> memref<128xi32, #tpu.memory_space<hbm>>
      %dma_start3A_130 = tpu.memref_slice %arg3[%add3A_50] : memref<65536xi32, #tpu.memory_space<hbm>> -> memref<128xi32, #tpu.memory_space<hbm>>
      tpu.enqueue_dma source(%dma_start3A_130 : memref<128xi32, #tpu.memory_space<hbm>>) target(%arg5 : memref<128xi32, #tpu.memory_space<vmem>>) target_semaphore(%run_scoped3A : memref<!tpu.dma_semaphore, #tpu.memory_space<semaphore_mem>>)
      %dma_wait3A_131 = tpu.memref_slice %arg3[%add3A_50] : memref<65536xi32, #tpu.memory_space<hbm>> -> memref<128xi32, #tpu.memory_space<hbm>>
      %dma_wait3A_132 = tpu.memref_slice %arg3[%add3A_50] : memref<65536xi32, #tpu.memory_space<hbm>> -> memref<128xi32, #tpu.memory_space<hbm>>
      tpu.wait_dma2 semaphore(%run_scoped3A : memref<!tpu.dma_semaphore, #tpu.memory_space<semaphore_mem>>) src(%dma_wait3A_132 : memref<128xi32, #tpu.memory_space<hbm>>) dst(%arg5 : memref<128xi32, #tpu.memory_space<vmem>>)
      tpu.yield
    }) : () -> ()
    %dma_start3A_51 = arith.constant 0 : i32
    %dma_start3A_52 = arith.constant 0 : i32
    %dma_start3A_53 = tpu.memref_slice %arg2[%dma_start3A_51, %dma_start3A_52] : memref<16384x128xf32, #tpu.memory_space<hbm>> -> memref<16384x128xf32, #tpu.memory_space<hbm>>
    tpu.enqueue_indirect_dma source(%dma_start3A_53 : memref<16384x128xf32, #tpu.memory_space<hbm>>) target(%arg6 : memref<128x128xf32, #tpu.memory_space<vmem>>) offsets(%arg5 : memref<128xi32, #tpu.memory_space<vmem>>) semaphore(%arg7 : memref<!tpu.dma_semaphore, #tpu.memory_space<semaphore_mem>>)
    %dma_wait3A_54 = arith.constant 0 : i32
    %dma_wait3A_55 = arith.constant 0 : i32
    %dma_wait3A_56 = tpu.memref_slice %arg2[%dma_wait3A_54, %dma_wait3A_55] : memref<16384x128xf32, #tpu.memory_space<hbm>> -> memref<16384x128xf32, #tpu.memory_space<hbm>>
    tpu.wait_indirect_dma semaphore(%arg7 : memref<!tpu.dma_semaphore, #tpu.memory_space<semaphore_mem>>) src(%dma_wait3A_56 : memref<16384x128xf32, #tpu.memory_space<hbm>>) dst(%arg6 : memref<128x128xf32, #tpu.memory_space<vmem>>)
    "tpu.region"() ({
      %run_scoped3A = tpu.sem_alloc : memref<!tpu.dma_semaphore, #tpu.memory_space<semaphore_mem>>
      %dma_start3A_129 = arith.constant 0 : i32
      %dma_start3A_130 = tpu.memref_slice %arg4[%add3A_50, %dma_start3A_129] : memref<65536x128xf32, #tpu.memory_space<hbm>> -> memref<128x128xf32, #tpu.memory_space<hbm>>
      %dma_start3A_131 = arith.constant 0 : i32
      %dma_start3A_132 = tpu.memref_slice %arg4[%add3A_50, %dma_start3A_131] : memref<65536x128xf32, #tpu.memory_space<hbm>> -> memref<128x128xf32, #tpu.memory_space<hbm>>
      tpu.enqueue_dma source(%arg6 : memref<128x128xf32, #tpu.memory_space<vmem>>) target(%dma_start3A_132 : memref<128x128xf32, #tpu.memory_space<hbm>>) target_semaphore(%run_scoped3A : memref<!tpu.dma_semaphore, #tpu.memory_space<semaphore_mem>>)
      %dma_wait3A_133 = arith.constant 0 : i32
      %dma_wait3A_134 = tpu.memref_slice %arg4[%add3A_50, %dma_wait3A_133] : memref<65536x128xf32, #tpu.memory_space<hbm>> -> memref<128x128xf32, #tpu.memory_space<hbm>>
      %dma_wait3A_135 = arith.constant 0 : i32
      %dma_wait3A_136 = tpu.memref_slice %arg4[%add3A_50, %dma_wait3A_135] : memref<65536x128xf32, #tpu.memory_space<hbm>> -> memref<128x128xf32, #tpu.memory_space<hbm>>
      tpu.wait_dma2 semaphore(%run_scoped3A : memref<!tpu.dma_semaphore, #tpu.memory_space<semaphore_mem>>) src(%arg6 : memref<128x128xf32, #tpu.memory_space<vmem>>) dst(%dma_wait3A_136 : memref<128x128xf32, #tpu.memory_space<hbm>>)
      tpu.yield
    }) : () -> ()
    %add3A_57 = arith.constant 896 : i32
    %add3A_58 = arith.addi %mul3A_2, %add3A_57 : i32
    "tpu.region"() ({
      %run_scoped3A = tpu.sem_alloc : memref<!tpu.dma_semaphore, #tpu.memory_space<semaphore_mem>>
      %dma_start3A_129 = tpu.memref_slice %arg3[%add3A_58] : memref<65536xi32, #tpu.memory_space<hbm>> -> memref<128xi32, #tpu.memory_space<hbm>>
      %dma_start3A_130 = tpu.memref_slice %arg3[%add3A_58] : memref<65536xi32, #tpu.memory_space<hbm>> -> memref<128xi32, #tpu.memory_space<hbm>>
      tpu.enqueue_dma source(%dma_start3A_130 : memref<128xi32, #tpu.memory_space<hbm>>) target(%arg5 : memref<128xi32, #tpu.memory_space<vmem>>) target_semaphore(%run_scoped3A : memref<!tpu.dma_semaphore, #tpu.memory_space<semaphore_mem>>)
      %dma_wait3A_131 = tpu.memref_slice %arg3[%add3A_58] : memref<65536xi32, #tpu.memory_space<hbm>> -> memref<128xi32, #tpu.memory_space<hbm>>
      %dma_wait3A_132 = tpu.memref_slice %arg3[%add3A_58] : memref<65536xi32, #tpu.memory_space<hbm>> -> memref<128xi32, #tpu.memory_space<hbm>>
      tpu.wait_dma2 semaphore(%run_scoped3A : memref<!tpu.dma_semaphore, #tpu.memory_space<semaphore_mem>>) src(%dma_wait3A_132 : memref<128xi32, #tpu.memory_space<hbm>>) dst(%arg5 : memref<128xi32, #tpu.memory_space<vmem>>)
      tpu.yield
    }) : () -> ()
    %dma_start3A_59 = arith.constant 0 : i32
    %dma_start3A_60 = arith.constant 0 : i32
    %dma_start3A_61 = tpu.memref_slice %arg2[%dma_start3A_59, %dma_start3A_60] : memref<16384x128xf32, #tpu.memory_space<hbm>> -> memref<16384x128xf32, #tpu.memory_space<hbm>>
    tpu.enqueue_indirect_dma source(%dma_start3A_61 : memref<16384x128xf32, #tpu.memory_space<hbm>>) target(%arg6 : memref<128x128xf32, #tpu.memory_space<vmem>>) offsets(%arg5 : memref<128xi32, #tpu.memory_space<vmem>>) semaphore(%arg7 : memref<!tpu.dma_semaphore, #tpu.memory_space<semaphore_mem>>)
    %dma_wait3A_62 = arith.constant 0 : i32
    %dma_wait3A_63 = arith.constant 0 : i32
    %dma_wait3A_64 = tpu.memref_slice %arg2[%dma_wait3A_62, %dma_wait3A_63] : memref<16384x128xf32, #tpu.memory_space<hbm>> -> memref<16384x128xf32, #tpu.memory_space<hbm>>
    tpu.wait_indirect_dma semaphore(%arg7 : memref<!tpu.dma_semaphore, #tpu.memory_space<semaphore_mem>>) src(%dma_wait3A_64 : memref<16384x128xf32, #tpu.memory_space<hbm>>) dst(%arg6 : memref<128x128xf32, #tpu.memory_space<vmem>>)
    "tpu.region"() ({
      %run_scoped3A = tpu.sem_alloc : memref<!tpu.dma_semaphore, #tpu.memory_space<semaphore_mem>>
      %dma_start3A_129 = arith.constant 0 : i32
      %dma_start3A_130 = tpu.memref_slice %arg4[%add3A_58, %dma_start3A_129] : memref<65536x128xf32, #tpu.memory_space<hbm>> -> memref<128x128xf32, #tpu.memory_space<hbm>>
      %dma_start3A_131 = arith.constant 0 : i32
      %dma_start3A_132 = tpu.memref_slice %arg4[%add3A_58, %dma_start3A_131] : memref<65536x128xf32, #tpu.memory_space<hbm>> -> memref<128x128xf32, #tpu.memory_space<hbm>>
      tpu.enqueue_dma source(%arg6 : memref<128x128xf32, #tpu.memory_space<vmem>>) target(%dma_start3A_132 : memref<128x128xf32, #tpu.memory_space<hbm>>) target_semaphore(%run_scoped3A : memref<!tpu.dma_semaphore, #tpu.memory_space<semaphore_mem>>)
      %dma_wait3A_133 = arith.constant 0 : i32
      %dma_wait3A_134 = tpu.memref_slice %arg4[%add3A_58, %dma_wait3A_133] : memref<65536x128xf32, #tpu.memory_space<hbm>> -> memref<128x128xf32, #tpu.memory_space<hbm>>
      %dma_wait3A_135 = arith.constant 0 : i32
      %dma_wait3A_136 = tpu.memref_slice %arg4[%add3A_58, %dma_wait3A_135] : memref<65536x128xf32, #tpu.memory_space<hbm>> -> memref<128x128xf32, #tpu.memory_space<hbm>>
      tpu.wait_dma2 semaphore(%run_scoped3A : memref<!tpu.dma_semaphore, #tpu.memory_space<semaphore_mem>>) src(%arg6 : memref<128x128xf32, #tpu.memory_space<vmem>>) dst(%dma_wait3A_136 : memref<128x128xf32, #tpu.memory_space<hbm>>)
      tpu.yield
    }) : () -> ()
    %add3A_65 = arith.constant 1024 : i32
    %add3A_66 = arith.addi %mul3A_2, %add3A_65 : i32
    "tpu.region"() ({
      %run_scoped3A = tpu.sem_alloc : memref<!tpu.dma_semaphore, #tpu.memory_space<semaphore_mem>>
      %dma_start3A_129 = tpu.memref_slice %arg3[%add3A_66] : memref<65536xi32, #tpu.memory_space<hbm>> -> memref<128xi32, #tpu.memory_space<hbm>>
      %dma_start3A_130 = tpu.memref_slice %arg3[%add3A_66] : memref<65536xi32, #tpu.memory_space<hbm>> -> memref<128xi32, #tpu.memory_space<hbm>>
      tpu.enqueue_dma source(%dma_start3A_130 : memref<128xi32, #tpu.memory_space<hbm>>) target(%arg5 : memref<128xi32, #tpu.memory_space<vmem>>) target_semaphore(%run_scoped3A : memref<!tpu.dma_semaphore, #tpu.memory_space<semaphore_mem>>)
      %dma_wait3A_131 = tpu.memref_slice %arg3[%add3A_66] : memref<65536xi32, #tpu.memory_space<hbm>> -> memref<128xi32, #tpu.memory_space<hbm>>
      %dma_wait3A_132 = tpu.memref_slice %arg3[%add3A_66] : memref<65536xi32, #tpu.memory_space<hbm>> -> memref<128xi32, #tpu.memory_space<hbm>>
      tpu.wait_dma2 semaphore(%run_scoped3A : memref<!tpu.dma_semaphore, #tpu.memory_space<semaphore_mem>>) src(%dma_wait3A_132 : memref<128xi32, #tpu.memory_space<hbm>>) dst(%arg5 : memref<128xi32, #tpu.memory_space<vmem>>)
      tpu.yield
    }) : () -> ()
    %dma_start3A_67 = arith.constant 0 : i32
    %dma_start3A_68 = arith.constant 0 : i32
    %dma_start3A_69 = tpu.memref_slice %arg2[%dma_start3A_67, %dma_start3A_68] : memref<16384x128xf32, #tpu.memory_space<hbm>> -> memref<16384x128xf32, #tpu.memory_space<hbm>>
    tpu.enqueue_indirect_dma source(%dma_start3A_69 : memref<16384x128xf32, #tpu.memory_space<hbm>>) target(%arg6 : memref<128x128xf32, #tpu.memory_space<vmem>>) offsets(%arg5 : memref<128xi32, #tpu.memory_space<vmem>>) semaphore(%arg7 : memref<!tpu.dma_semaphore, #tpu.memory_space<semaphore_mem>>)
    %dma_wait3A_70 = arith.constant 0 : i32
    %dma_wait3A_71 = arith.constant 0 : i32
    %dma_wait3A_72 = tpu.memref_slice %arg2[%dma_wait3A_70, %dma_wait3A_71] : memref<16384x128xf32, #tpu.memory_space<hbm>> -> memref<16384x128xf32, #tpu.memory_space<hbm>>
    tpu.wait_indirect_dma semaphore(%arg7 : memref<!tpu.dma_semaphore, #tpu.memory_space<semaphore_mem>>) src(%dma_wait3A_72 : memref<16384x128xf32, #tpu.memory_space<hbm>>) dst(%arg6 : memref<128x128xf32, #tpu.memory_space<vmem>>)
    "tpu.region"() ({
      %run_scoped3A = tpu.sem_alloc : memref<!tpu.dma_semaphore, #tpu.memory_space<semaphore_mem>>
      %dma_start3A_129 = arith.constant 0 : i32
      %dma_start3A_130 = tpu.memref_slice %arg4[%add3A_66, %dma_start3A_129] : memref<65536x128xf32, #tpu.memory_space<hbm>> -> memref<128x128xf32, #tpu.memory_space<hbm>>
      %dma_start3A_131 = arith.constant 0 : i32
      %dma_start3A_132 = tpu.memref_slice %arg4[%add3A_66, %dma_start3A_131] : memref<65536x128xf32, #tpu.memory_space<hbm>> -> memref<128x128xf32, #tpu.memory_space<hbm>>
      tpu.enqueue_dma source(%arg6 : memref<128x128xf32, #tpu.memory_space<vmem>>) target(%dma_start3A_132 : memref<128x128xf32, #tpu.memory_space<hbm>>) target_semaphore(%run_scoped3A : memref<!tpu.dma_semaphore, #tpu.memory_space<semaphore_mem>>)
      %dma_wait3A_133 = arith.constant 0 : i32
      %dma_wait3A_134 = tpu.memref_slice %arg4[%add3A_66, %dma_wait3A_133] : memref<65536x128xf32, #tpu.memory_space<hbm>> -> memref<128x128xf32, #tpu.memory_space<hbm>>
      %dma_wait3A_135 = arith.constant 0 : i32
      %dma_wait3A_136 = tpu.memref_slice %arg4[%add3A_66, %dma_wait3A_135] : memref<65536x128xf32, #tpu.memory_space<hbm>> -> memref<128x128xf32, #tpu.memory_space<hbm>>
      tpu.wait_dma2 semaphore(%run_scoped3A : memref<!tpu.dma_semaphore, #tpu.memory_space<semaphore_mem>>) src(%arg6 : memref<128x128xf32, #tpu.memory_space<vmem>>) dst(%dma_wait3A_136 : memref<128x128xf32, #tpu.memory_space<hbm>>)
      tpu.yield
    }) : () -> ()
    %add3A_73 = arith.constant 1152 : i32
    %add3A_74 = arith.addi %mul3A_2, %add3A_73 : i32
    "tpu.region"() ({
      %run_scoped3A = tpu.sem_alloc : memref<!tpu.dma_semaphore, #tpu.memory_space<semaphore_mem>>
      %dma_start3A_129 = tpu.memref_slice %arg3[%add3A_74] : memref<65536xi32, #tpu.memory_space<hbm>> -> memref<128xi32, #tpu.memory_space<hbm>>
      %dma_start3A_130 = tpu.memref_slice %arg3[%add3A_74] : memref<65536xi32, #tpu.memory_space<hbm>> -> memref<128xi32, #tpu.memory_space<hbm>>
      tpu.enqueue_dma source(%dma_start3A_130 : memref<128xi32, #tpu.memory_space<hbm>>) target(%arg5 : memref<128xi32, #tpu.memory_space<vmem>>) target_semaphore(%run_scoped3A : memref<!tpu.dma_semaphore, #tpu.memory_space<semaphore_mem>>)
      %dma_wait3A_131 = tpu.memref_slice %arg3[%add3A_74] : memref<65536xi32, #tpu.memory_space<hbm>> -> memref<128xi32, #tpu.memory_space<hbm>>
      %dma_wait3A_132 = tpu.memref_slice %arg3[%add3A_74] : memref<65536xi32, #tpu.memory_space<hbm>> -> memref<128xi32, #tpu.memory_space<hbm>>
      tpu.wait_dma2 semaphore(%run_scoped3A : memref<!tpu.dma_semaphore, #tpu.memory_space<semaphore_mem>>) src(%dma_wait3A_132 : memref<128xi32, #tpu.memory_space<hbm>>) dst(%arg5 : memref<128xi32, #tpu.memory_space<vmem>>)
      tpu.yield
    }) : () -> ()
    %dma_start3A_75 = arith.constant 0 : i32
    %dma_start3A_76 = arith.constant 0 : i32
    %dma_start3A_77 = tpu.memref_slice %arg2[%dma_start3A_75, %dma_start3A_76] : memref<16384x128xf32, #tpu.memory_space<hbm>> -> memref<16384x128xf32, #tpu.memory_space<hbm>>
    tpu.enqueue_indirect_dma source(%dma_start3A_77 : memref<16384x128xf32, #tpu.memory_space<hbm>>) target(%arg6 : memref<128x128xf32, #tpu.memory_space<vmem>>) offsets(%arg5 : memref<128xi32, #tpu.memory_space<vmem>>) semaphore(%arg7 : memref<!tpu.dma_semaphore, #tpu.memory_space<semaphore_mem>>)
    %dma_wait3A_78 = arith.constant 0 : i32
    %dma_wait3A_79 = arith.constant 0 : i32
    %dma_wait3A_80 = tpu.memref_slice %arg2[%dma_wait3A_78, %dma_wait3A_79] : memref<16384x128xf32, #tpu.memory_space<hbm>> -> memref<16384x128xf32, #tpu.memory_space<hbm>>
    tpu.wait_indirect_dma semaphore(%arg7 : memref<!tpu.dma_semaphore, #tpu.memory_space<semaphore_mem>>) src(%dma_wait3A_80 : memref<16384x128xf32, #tpu.memory_space<hbm>>) dst(%arg6 : memref<128x128xf32, #tpu.memory_space<vmem>>)
    "tpu.region"() ({
      %run_scoped3A = tpu.sem_alloc : memref<!tpu.dma_semaphore, #tpu.memory_space<semaphore_mem>>
      %dma_start3A_129 = arith.constant 0 : i32
      %dma_start3A_130 = tpu.memref_slice %arg4[%add3A_74, %dma_start3A_129] : memref<65536x128xf32, #tpu.memory_space<hbm>> -> memref<128x128xf32, #tpu.memory_space<hbm>>
      %dma_start3A_131 = arith.constant 0 : i32
      %dma_start3A_132 = tpu.memref_slice %arg4[%add3A_74, %dma_start3A_131] : memref<65536x128xf32, #tpu.memory_space<hbm>> -> memref<128x128xf32, #tpu.memory_space<hbm>>
      tpu.enqueue_dma source(%arg6 : memref<128x128xf32, #tpu.memory_space<vmem>>) target(%dma_start3A_132 : memref<128x128xf32, #tpu.memory_space<hbm>>) target_semaphore(%run_scoped3A : memref<!tpu.dma_semaphore, #tpu.memory_space<semaphore_mem>>)
      %dma_wait3A_133 = arith.constant 0 : i32
      %dma_wait3A_134 = tpu.memref_slice %arg4[%add3A_74, %dma_wait3A_133] : memref<65536x128xf32, #tpu.memory_space<hbm>> -> memref<128x128xf32, #tpu.memory_space<hbm>>
      %dma_wait3A_135 = arith.constant 0 : i32
      %dma_wait3A_136 = tpu.memref_slice %arg4[%add3A_74, %dma_wait3A_135] : memref<65536x128xf32, #tpu.memory_space<hbm>> -> memref<128x128xf32, #tpu.memory_space<hbm>>
      tpu.wait_dma2 semaphore(%run_scoped3A : memref<!tpu.dma_semaphore, #tpu.memory_space<semaphore_mem>>) src(%arg6 : memref<128x128xf32, #tpu.memory_space<vmem>>) dst(%dma_wait3A_136 : memref<128x128xf32, #tpu.memory_space<hbm>>)
      tpu.yield
    }) : () -> ()
    %add3A_81 = arith.constant 1280 : i32
    %add3A_82 = arith.addi %mul3A_2, %add3A_81 : i32
    "tpu.region"() ({
      %run_scoped3A = tpu.sem_alloc : memref<!tpu.dma_semaphore, #tpu.memory_space<semaphore_mem>>
      %dma_start3A_129 = tpu.memref_slice %arg3[%add3A_82] : memref<65536xi32, #tpu.memory_space<hbm>> -> memref<128xi32, #tpu.memory_space<hbm>>
      %dma_start3A_130 = tpu.memref_slice %arg3[%add3A_82] : memref<65536xi32, #tpu.memory_space<hbm>> -> memref<128xi32, #tpu.memory_space<hbm>>
      tpu.enqueue_dma source(%dma_start3A_130 : memref<128xi32, #tpu.memory_space<hbm>>) target(%arg5 : memref<128xi32, #tpu.memory_space<vmem>>) target_semaphore(%run_scoped3A : memref<!tpu.dma_semaphore, #tpu.memory_space<semaphore_mem>>)
      %dma_wait3A_131 = tpu.memref_slice %arg3[%add3A_82] : memref<65536xi32, #tpu.memory_space<hbm>> -> memref<128xi32, #tpu.memory_space<hbm>>
      %dma_wait3A_132 = tpu.memref_slice %arg3[%add3A_82] : memref<65536xi32, #tpu.memory_space<hbm>> -> memref<128xi32, #tpu.memory_space<hbm>>
      tpu.wait_dma2 semaphore(%run_scoped3A : memref<!tpu.dma_semaphore, #tpu.memory_space<semaphore_mem>>) src(%dma_wait3A_132 : memref<128xi32, #tpu.memory_space<hbm>>) dst(%arg5 : memref<128xi32, #tpu.memory_space<vmem>>)
      tpu.yield
    }) : () -> ()
    %dma_start3A_83 = arith.constant 0 : i32
    %dma_start3A_84 = arith.constant 0 : i32
    %dma_start3A_85 = tpu.memref_slice %arg2[%dma_start3A_83, %dma_start3A_84] : memref<16384x128xf32, #tpu.memory_space<hbm>> -> memref<16384x128xf32, #tpu.memory_space<hbm>>
    tpu.enqueue_indirect_dma source(%dma_start3A_85 : memref<16384x128xf32, #tpu.memory_space<hbm>>) target(%arg6 : memref<128x128xf32, #tpu.memory_space<vmem>>) offsets(%arg5 : memref<128xi32, #tpu.memory_space<vmem>>) semaphore(%arg7 : memref<!tpu.dma_semaphore, #tpu.memory_space<semaphore_mem>>)
    %dma_wait3A_86 = arith.constant 0 : i32
    %dma_wait3A_87 = arith.constant 0 : i32
    %dma_wait3A_88 = tpu.memref_slice %arg2[%dma_wait3A_86, %dma_wait3A_87] : memref<16384x128xf32, #tpu.memory_space<hbm>> -> memref<16384x128xf32, #tpu.memory_space<hbm>>
    tpu.wait_indirect_dma semaphore(%arg7 : memref<!tpu.dma_semaphore, #tpu.memory_space<semaphore_mem>>) src(%dma_wait3A_88 : memref<16384x128xf32, #tpu.memory_space<hbm>>) dst(%arg6 : memref<128x128xf32, #tpu.memory_space<vmem>>)
    "tpu.region"() ({
      %run_scoped3A = tpu.sem_alloc : memref<!tpu.dma_semaphore, #tpu.memory_space<semaphore_mem>>
      %dma_start3A_129 = arith.constant 0 : i32
      %dma_start3A_130 = tpu.memref_slice %arg4[%add3A_82, %dma_start3A_129] : memref<65536x128xf32, #tpu.memory_space<hbm>> -> memref<128x128xf32, #tpu.memory_space<hbm>>
      %dma_start3A_131 = arith.constant 0 : i32
      %dma_start3A_132 = tpu.memref_slice %arg4[%add3A_82, %dma_start3A_131] : memref<65536x128xf32, #tpu.memory_space<hbm>> -> memref<128x128xf32, #tpu.memory_space<hbm>>
      tpu.enqueue_dma source(%arg6 : memref<128x128xf32, #tpu.memory_space<vmem>>) target(%dma_start3A_132 : memref<128x128xf32, #tpu.memory_space<hbm>>) target_semaphore(%run_scoped3A : memref<!tpu.dma_semaphore, #tpu.memory_space<semaphore_mem>>)
      %dma_wait3A_133 = arith.constant 0 : i32
      %dma_wait3A_134 = tpu.memref_slice %arg4[%add3A_82, %dma_wait3A_133] : memref<65536x128xf32, #tpu.memory_space<hbm>> -> memref<128x128xf32, #tpu.memory_space<hbm>>
      %dma_wait3A_135 = arith.constant 0 : i32
      %dma_wait3A_136 = tpu.memref_slice %arg4[%add3A_82, %dma_wait3A_135] : memref<65536x128xf32, #tpu.memory_space<hbm>> -> memref<128x128xf32, #tpu.memory_space<hbm>>
      tpu.wait_dma2 semaphore(%run_scoped3A : memref<!tpu.dma_semaphore, #tpu.memory_space<semaphore_mem>>) src(%arg6 : memref<128x128xf32, #tpu.memory_space<vmem>>) dst(%dma_wait3A_136 : memref<128x128xf32, #tpu.memory_space<hbm>>)
      tpu.yield
    }) : () -> ()
    %add3A_89 = arith.constant 1408 : i32
    %add3A_90 = arith.addi %mul3A_2, %add3A_89 : i32
    "tpu.region"() ({
      %run_scoped3A = tpu.sem_alloc : memref<!tpu.dma_semaphore, #tpu.memory_space<semaphore_mem>>
      %dma_start3A_129 = tpu.memref_slice %arg3[%add3A_90] : memref<65536xi32, #tpu.memory_space<hbm>> -> memref<128xi32, #tpu.memory_space<hbm>>
      %dma_start3A_130 = tpu.memref_slice %arg3[%add3A_90] : memref<65536xi32, #tpu.memory_space<hbm>> -> memref<128xi32, #tpu.memory_space<hbm>>
      tpu.enqueue_dma source(%dma_start3A_130 : memref<128xi32, #tpu.memory_space<hbm>>) target(%arg5 : memref<128xi32, #tpu.memory_space<vmem>>) target_semaphore(%run_scoped3A : memref<!tpu.dma_semaphore, #tpu.memory_space<semaphore_mem>>)
      %dma_wait3A_131 = tpu.memref_slice %arg3[%add3A_90] : memref<65536xi32, #tpu.memory_space<hbm>> -> memref<128xi32, #tpu.memory_space<hbm>>
      %dma_wait3A_132 = tpu.memref_slice %arg3[%add3A_90] : memref<65536xi32, #tpu.memory_space<hbm>> -> memref<128xi32, #tpu.memory_space<hbm>>
      tpu.wait_dma2 semaphore(%run_scoped3A : memref<!tpu.dma_semaphore, #tpu.memory_space<semaphore_mem>>) src(%dma_wait3A_132 : memref<128xi32, #tpu.memory_space<hbm>>) dst(%arg5 : memref<128xi32, #tpu.memory_space<vmem>>)
      tpu.yield
    }) : () -> ()
    %dma_start3A_91 = arith.constant 0 : i32
    %dma_start3A_92 = arith.constant 0 : i32
    %dma_start3A_93 = tpu.memref_slice %arg2[%dma_start3A_91, %dma_start3A_92] : memref<16384x128xf32, #tpu.memory_space<hbm>> -> memref<16384x128xf32, #tpu.memory_space<hbm>>
    tpu.enqueue_indirect_dma source(%dma_start3A_93 : memref<16384x128xf32, #tpu.memory_space<hbm>>) target(%arg6 : memref<128x128xf32, #tpu.memory_space<vmem>>) offsets(%arg5 : memref<128xi32, #tpu.memory_space<vmem>>) semaphore(%arg7 : memref<!tpu.dma_semaphore, #tpu.memory_space<semaphore_mem>>)
    %dma_wait3A_94 = arith.constant 0 : i32
    %dma_wait3A_95 = arith.constant 0 : i32
    %dma_wait3A_96 = tpu.memref_slice %arg2[%dma_wait3A_94, %dma_wait3A_95] : memref<16384x128xf32, #tpu.memory_space<hbm>> -> memref<16384x128xf32, #tpu.memory_space<hbm>>
    tpu.wait_indirect_dma semaphore(%arg7 : memref<!tpu.dma_semaphore, #tpu.memory_space<semaphore_mem>>) src(%dma_wait3A_96 : memref<16384x128xf32, #tpu.memory_space<hbm>>) dst(%arg6 : memref<128x128xf32, #tpu.memory_space<vmem>>)
    "tpu.region"() ({
      %run_scoped3A = tpu.sem_alloc : memref<!tpu.dma_semaphore, #tpu.memory_space<semaphore_mem>>
      %dma_start3A_129 = arith.constant 0 : i32
      %dma_start3A_130 = tpu.memref_slice %arg4[%add3A_90, %dma_start3A_129] : memref<65536x128xf32, #tpu.memory_space<hbm>> -> memref<128x128xf32, #tpu.memory_space<hbm>>
      %dma_start3A_131 = arith.constant 0 : i32
      %dma_start3A_132 = tpu.memref_slice %arg4[%add3A_90, %dma_start3A_131] : memref<65536x128xf32, #tpu.memory_space<hbm>> -> memref<128x128xf32, #tpu.memory_space<hbm>>
      tpu.enqueue_dma source(%arg6 : memref<128x128xf32, #tpu.memory_space<vmem>>) target(%dma_start3A_132 : memref<128x128xf32, #tpu.memory_space<hbm>>) target_semaphore(%run_scoped3A : memref<!tpu.dma_semaphore, #tpu.memory_space<semaphore_mem>>)
      %dma_wait3A_133 = arith.constant 0 : i32
      %dma_wait3A_134 = tpu.memref_slice %arg4[%add3A_90, %dma_wait3A_133] : memref<65536x128xf32, #tpu.memory_space<hbm>> -> memref<128x128xf32, #tpu.memory_space<hbm>>
      %dma_wait3A_135 = arith.constant 0 : i32
      %dma_wait3A_136 = tpu.memref_slice %arg4[%add3A_90, %dma_wait3A_135] : memref<65536x128xf32, #tpu.memory_space<hbm>> -> memref<128x128xf32, #tpu.memory_space<hbm>>
      tpu.wait_dma2 semaphore(%run_scoped3A : memref<!tpu.dma_semaphore, #tpu.memory_space<semaphore_mem>>) src(%arg6 : memref<128x128xf32, #tpu.memory_space<vmem>>) dst(%dma_wait3A_136 : memref<128x128xf32, #tpu.memory_space<hbm>>)
      tpu.yield
    }) : () -> ()
    %add3A_97 = arith.constant 1536 : i32
    %add3A_98 = arith.addi %mul3A_2, %add3A_97 : i32
    "tpu.region"() ({
      %run_scoped3A = tpu.sem_alloc : memref<!tpu.dma_semaphore, #tpu.memory_space<semaphore_mem>>
      %dma_start3A_129 = tpu.memref_slice %arg3[%add3A_98] : memref<65536xi32, #tpu.memory_space<hbm>> -> memref<128xi32, #tpu.memory_space<hbm>>
      %dma_start3A_130 = tpu.memref_slice %arg3[%add3A_98] : memref<65536xi32, #tpu.memory_space<hbm>> -> memref<128xi32, #tpu.memory_space<hbm>>
      tpu.enqueue_dma source(%dma_start3A_130 : memref<128xi32, #tpu.memory_space<hbm>>) target(%arg5 : memref<128xi32, #tpu.memory_space<vmem>>) target_semaphore(%run_scoped3A : memref<!tpu.dma_semaphore, #tpu.memory_space<semaphore_mem>>)
      %dma_wait3A_131 = tpu.memref_slice %arg3[%add3A_98] : memref<65536xi32, #tpu.memory_space<hbm>> -> memref<128xi32, #tpu.memory_space<hbm>>
      %dma_wait3A_132 = tpu.memref_slice %arg3[%add3A_98] : memref<65536xi32, #tpu.memory_space<hbm>> -> memref<128xi32, #tpu.memory_space<hbm>>
      tpu.wait_dma2 semaphore(%run_scoped3A : memref<!tpu.dma_semaphore, #tpu.memory_space<semaphore_mem>>) src(%dma_wait3A_132 : memref<128xi32, #tpu.memory_space<hbm>>) dst(%arg5 : memref<128xi32, #tpu.memory_space<vmem>>)
      tpu.yield
    }) : () -> ()
    %dma_start3A_99 = arith.constant 0 : i32
    %dma_start3A_100 = arith.constant 0 : i32
    %dma_start3A_101 = tpu.memref_slice %arg2[%dma_start3A_99, %dma_start3A_100] : memref<16384x128xf32, #tpu.memory_space<hbm>> -> memref<16384x128xf32, #tpu.memory_space<hbm>>
    tpu.enqueue_indirect_dma source(%dma_start3A_101 : memref<16384x128xf32, #tpu.memory_space<hbm>>) target(%arg6 : memref<128x128xf32, #tpu.memory_space<vmem>>) offsets(%arg5 : memref<128xi32, #tpu.memory_space<vmem>>) semaphore(%arg7 : memref<!tpu.dma_semaphore, #tpu.memory_space<semaphore_mem>>)
    %dma_wait3A_102 = arith.constant 0 : i32
    %dma_wait3A_103 = arith.constant 0 : i32
    %dma_wait3A_104 = tpu.memref_slice %arg2[%dma_wait3A_102, %dma_wait3A_103] : memref<16384x128xf32, #tpu.memory_space<hbm>> -> memref<16384x128xf32, #tpu.memory_space<hbm>>
    tpu.wait_indirect_dma semaphore(%arg7 : memref<!tpu.dma_semaphore, #tpu.memory_space<semaphore_mem>>) src(%dma_wait3A_104 : memref<16384x128xf32, #tpu.memory_space<hbm>>) dst(%arg6 : memref<128x128xf32, #tpu.memory_space<vmem>>)
    "tpu.region"() ({
      %run_scoped3A = tpu.sem_alloc : memref<!tpu.dma_semaphore, #tpu.memory_space<semaphore_mem>>
      %dma_start3A_129 = arith.constant 0 : i32
      %dma_start3A_130 = tpu.memref_slice %arg4[%add3A_98, %dma_start3A_129] : memref<65536x128xf32, #tpu.memory_space<hbm>> -> memref<128x128xf32, #tpu.memory_space<hbm>>
      %dma_start3A_131 = arith.constant 0 : i32
      %dma_start3A_132 = tpu.memref_slice %arg4[%add3A_98, %dma_start3A_131] : memref<65536x128xf32, #tpu.memory_space<hbm>> -> memref<128x128xf32, #tpu.memory_space<hbm>>
      tpu.enqueue_dma source(%arg6 : memref<128x128xf32, #tpu.memory_space<vmem>>) target(%dma_start3A_132 : memref<128x128xf32, #tpu.memory_space<hbm>>) target_semaphore(%run_scoped3A : memref<!tpu.dma_semaphore, #tpu.memory_space<semaphore_mem>>)
      %dma_wait3A_133 = arith.constant 0 : i32
      %dma_wait3A_134 = tpu.memref_slice %arg4[%add3A_98, %dma_wait3A_133] : memref<65536x128xf32, #tpu.memory_space<hbm>> -> memref<128x128xf32, #tpu.memory_space<hbm>>
      %dma_wait3A_135 = arith.constant 0 : i32
      %dma_wait3A_136 = tpu.memref_slice %arg4[%add3A_98, %dma_wait3A_135] : memref<65536x128xf32, #tpu.memory_space<hbm>> -> memref<128x128xf32, #tpu.memory_space<hbm>>
      tpu.wait_dma2 semaphore(%run_scoped3A : memref<!tpu.dma_semaphore, #tpu.memory_space<semaphore_mem>>) src(%arg6 : memref<128x128xf32, #tpu.memory_space<vmem>>) dst(%dma_wait3A_136 : memref<128x128xf32, #tpu.memory_space<hbm>>)
      tpu.yield
    }) : () -> ()
    %add3A_105 = arith.constant 1664 : i32
    %add3A_106 = arith.addi %mul3A_2, %add3A_105 : i32
    "tpu.region"() ({
      %run_scoped3A = tpu.sem_alloc : memref<!tpu.dma_semaphore, #tpu.memory_space<semaphore_mem>>
      %dma_start3A_129 = tpu.memref_slice %arg3[%add3A_106] : memref<65536xi32, #tpu.memory_space<hbm>> -> memref<128xi32, #tpu.memory_space<hbm>>
      %dma_start3A_130 = tpu.memref_slice %arg3[%add3A_106] : memref<65536xi32, #tpu.memory_space<hbm>> -> memref<128xi32, #tpu.memory_space<hbm>>
      tpu.enqueue_dma source(%dma_start3A_130 : memref<128xi32, #tpu.memory_space<hbm>>) target(%arg5 : memref<128xi32, #tpu.memory_space<vmem>>) target_semaphore(%run_scoped3A : memref<!tpu.dma_semaphore, #tpu.memory_space<semaphore_mem>>)
      %dma_wait3A_131 = tpu.memref_slice %arg3[%add3A_106] : memref<65536xi32, #tpu.memory_space<hbm>> -> memref<128xi32, #tpu.memory_space<hbm>>
      %dma_wait3A_132 = tpu.memref_slice %arg3[%add3A_106] : memref<65536xi32, #tpu.memory_space<hbm>> -> memref<128xi32, #tpu.memory_space<hbm>>
      tpu.wait_dma2 semaphore(%run_scoped3A : memref<!tpu.dma_semaphore, #tpu.memory_space<semaphore_mem>>) src(%dma_wait3A_132 : memref<128xi32, #tpu.memory_space<hbm>>) dst(%arg5 : memref<128xi32, #tpu.memory_space<vmem>>)
      tpu.yield
    }) : () -> ()
    %dma_start3A_107 = arith.constant 0 : i32
    %dma_start3A_108 = arith.constant 0 : i32
    %dma_start3A_109 = tpu.memref_slice %arg2[%dma_start3A_107, %dma_start3A_108] : memref<16384x128xf32, #tpu.memory_space<hbm>> -> memref<16384x128xf32, #tpu.memory_space<hbm>>
    tpu.enqueue_indirect_dma source(%dma_start3A_109 : memref<16384x128xf32, #tpu.memory_space<hbm>>) target(%arg6 : memref<128x128xf32, #tpu.memory_space<vmem>>) offsets(%arg5 : memref<128xi32, #tpu.memory_space<vmem>>) semaphore(%arg7 : memref<!tpu.dma_semaphore, #tpu.memory_space<semaphore_mem>>)
    %dma_wait3A_110 = arith.constant 0 : i32
    %dma_wait3A_111 = arith.constant 0 : i32
    %dma_wait3A_112 = tpu.memref_slice %arg2[%dma_wait3A_110, %dma_wait3A_111] : memref<16384x128xf32, #tpu.memory_space<hbm>> -> memref<16384x128xf32, #tpu.memory_space<hbm>>
    tpu.wait_indirect_dma semaphore(%arg7 : memref<!tpu.dma_semaphore, #tpu.memory_space<semaphore_mem>>) src(%dma_wait3A_112 : memref<16384x128xf32, #tpu.memory_space<hbm>>) dst(%arg6 : memref<128x128xf32, #tpu.memory_space<vmem>>)
    "tpu.region"() ({
      %run_scoped3A = tpu.sem_alloc : memref<!tpu.dma_semaphore, #tpu.memory_space<semaphore_mem>>
      %dma_start3A_129 = arith.constant 0 : i32
      %dma_start3A_130 = tpu.memref_slice %arg4[%add3A_106, %dma_start3A_129] : memref<65536x128xf32, #tpu.memory_space<hbm>> -> memref<128x128xf32, #tpu.memory_space<hbm>>
      %dma_start3A_131 = arith.constant 0 : i32
      %dma_start3A_132 = tpu.memref_slice %arg4[%add3A_106, %dma_start3A_131] : memref<65536x128xf32, #tpu.memory_space<hbm>> -> memref<128x128xf32, #tpu.memory_space<hbm>>
      tpu.enqueue_dma source(%arg6 : memref<128x128xf32, #tpu.memory_space<vmem>>) target(%dma_start3A_132 : memref<128x128xf32, #tpu.memory_space<hbm>>) target_semaphore(%run_scoped3A : memref<!tpu.dma_semaphore, #tpu.memory_space<semaphore_mem>>)
      %dma_wait3A_133 = arith.constant 0 : i32
      %dma_wait3A_134 = tpu.memref_slice %arg4[%add3A_106, %dma_wait3A_133] : memref<65536x128xf32, #tpu.memory_space<hbm>> -> memref<128x128xf32, #tpu.memory_space<hbm>>
      %dma_wait3A_135 = arith.constant 0 : i32
      %dma_wait3A_136 = tpu.memref_slice %arg4[%add3A_106, %dma_wait3A_135] : memref<65536x128xf32, #tpu.memory_space<hbm>> -> memref<128x128xf32, #tpu.memory_space<hbm>>
      tpu.wait_dma2 semaphore(%run_scoped3A : memref<!tpu.dma_semaphore, #tpu.memory_space<semaphore_mem>>) src(%arg6 : memref<128x128xf32, #tpu.memory_space<vmem>>) dst(%dma_wait3A_136 : memref<128x128xf32, #tpu.memory_space<hbm>>)
      tpu.yield
    }) : () -> ()
    %add3A_113 = arith.constant 1792 : i32
    %add3A_114 = arith.addi %mul3A_2, %add3A_113 : i32
    "tpu.region"() ({
      %run_scoped3A = tpu.sem_alloc : memref<!tpu.dma_semaphore, #tpu.memory_space<semaphore_mem>>
      %dma_start3A_129 = tpu.memref_slice %arg3[%add3A_114] : memref<65536xi32, #tpu.memory_space<hbm>> -> memref<128xi32, #tpu.memory_space<hbm>>
      %dma_start3A_130 = tpu.memref_slice %arg3[%add3A_114] : memref<65536xi32, #tpu.memory_space<hbm>> -> memref<128xi32, #tpu.memory_space<hbm>>
      tpu.enqueue_dma source(%dma_start3A_130 : memref<128xi32, #tpu.memory_space<hbm>>) target(%arg5 : memref<128xi32, #tpu.memory_space<vmem>>) target_semaphore(%run_scoped3A : memref<!tpu.dma_semaphore, #tpu.memory_space<semaphore_mem>>)
      %dma_wait3A_131 = tpu.memref_slice %arg3[%add3A_114] : memref<65536xi32, #tpu.memory_space<hbm>> -> memref<128xi32, #tpu.memory_space<hbm>>
      %dma_wait3A_132 = tpu.memref_slice %arg3[%add3A_114] : memref<65536xi32, #tpu.memory_space<hbm>> -> memref<128xi32, #tpu.memory_space<hbm>>
      tpu.wait_dma2 semaphore(%run_scoped3A : memref<!tpu.dma_semaphore, #tpu.memory_space<semaphore_mem>>) src(%dma_wait3A_132 : memref<128xi32, #tpu.memory_space<hbm>>) dst(%arg5 : memref<128xi32, #tpu.memory_space<vmem>>)
      tpu.yield
    }) : () -> ()
    %dma_start3A_115 = arith.constant 0 : i32
    %dma_start3A_116 = arith.constant 0 : i32
    %dma_start3A_117 = tpu.memref_slice %arg2[%dma_start3A_115, %dma_start3A_116] : memref<16384x128xf32, #tpu.memory_space<hbm>> -> memref<16384x128xf32, #tpu.memory_space<hbm>>
    tpu.enqueue_indirect_dma source(%dma_start3A_117 : memref<16384x128xf32, #tpu.memory_space<hbm>>) target(%arg6 : memref<128x128xf32, #tpu.memory_space<vmem>>) offsets(%arg5 : memref<128xi32, #tpu.memory_space<vmem>>) semaphore(%arg7 : memref<!tpu.dma_semaphore, #tpu.memory_space<semaphore_mem>>)
    %dma_wait3A_118 = arith.constant 0 : i32
    %dma_wait3A_119 = arith.constant 0 : i32
    %dma_wait3A_120 = tpu.memref_slice %arg2[%dma_wait3A_118, %dma_wait3A_119] : memref<16384x128xf32, #tpu.memory_space<hbm>> -> memref<16384x128xf32, #tpu.memory_space<hbm>>
    tpu.wait_indirect_dma semaphore(%arg7 : memref<!tpu.dma_semaphore, #tpu.memory_space<semaphore_mem>>) src(%dma_wait3A_120 : memref<16384x128xf32, #tpu.memory_space<hbm>>) dst(%arg6 : memref<128x128xf32, #tpu.memory_space<vmem>>)
    "tpu.region"() ({
      %run_scoped3A = tpu.sem_alloc : memref<!tpu.dma_semaphore, #tpu.memory_space<semaphore_mem>>
      %dma_start3A_129 = arith.constant 0 : i32
      %dma_start3A_130 = tpu.memref_slice %arg4[%add3A_114, %dma_start3A_129] : memref<65536x128xf32, #tpu.memory_space<hbm>> -> memref<128x128xf32, #tpu.memory_space<hbm>>
      %dma_start3A_131 = arith.constant 0 : i32
      %dma_start3A_132 = tpu.memref_slice %arg4[%add3A_114, %dma_start3A_131] : memref<65536x128xf32, #tpu.memory_space<hbm>> -> memref<128x128xf32, #tpu.memory_space<hbm>>
      tpu.enqueue_dma source(%arg6 : memref<128x128xf32, #tpu.memory_space<vmem>>) target(%dma_start3A_132 : memref<128x128xf32, #tpu.memory_space<hbm>>) target_semaphore(%run_scoped3A : memref<!tpu.dma_semaphore, #tpu.memory_space<semaphore_mem>>)
      %dma_wait3A_133 = arith.constant 0 : i32
      %dma_wait3A_134 = tpu.memref_slice %arg4[%add3A_114, %dma_wait3A_133] : memref<65536x128xf32, #tpu.memory_space<hbm>> -> memref<128x128xf32, #tpu.memory_space<hbm>>
      %dma_wait3A_135 = arith.constant 0 : i32
      %dma_wait3A_136 = tpu.memref_slice %arg4[%add3A_114, %dma_wait3A_135] : memref<65536x128xf32, #tpu.memory_space<hbm>> -> memref<128x128xf32, #tpu.memory_space<hbm>>
      tpu.wait_dma2 semaphore(%run_scoped3A : memref<!tpu.dma_semaphore, #tpu.memory_space<semaphore_mem>>) src(%arg6 : memref<128x128xf32, #tpu.memory_space<vmem>>) dst(%dma_wait3A_136 : memref<128x128xf32, #tpu.memory_space<hbm>>)
      tpu.yield
    }) : () -> ()
    %add3A_121 = arith.constant 1920 : i32
    %add3A_122 = arith.addi %mul3A_2, %add3A_121 : i32
    "tpu.region"() ({
      %run_scoped3A = tpu.sem_alloc : memref<!tpu.dma_semaphore, #tpu.memory_space<semaphore_mem>>
      %dma_start3A_129 = tpu.memref_slice %arg3[%add3A_122] : memref<65536xi32, #tpu.memory_space<hbm>> -> memref<128xi32, #tpu.memory_space<hbm>>
      %dma_start3A_130 = tpu.memref_slice %arg3[%add3A_122] : memref<65536xi32, #tpu.memory_space<hbm>> -> memref<128xi32, #tpu.memory_space<hbm>>
      tpu.enqueue_dma source(%dma_start3A_130 : memref<128xi32, #tpu.memory_space<hbm>>) target(%arg5 : memref<128xi32, #tpu.memory_space<vmem>>) target_semaphore(%run_scoped3A : memref<!tpu.dma_semaphore, #tpu.memory_space<semaphore_mem>>)
      %dma_wait3A_131 = tpu.memref_slice %arg3[%add3A_122] : memref<65536xi32, #tpu.memory_space<hbm>> -> memref<128xi32, #tpu.memory_space<hbm>>
      %dma_wait3A_132 = tpu.memref_slice %arg3[%add3A_122] : memref<65536xi32, #tpu.memory_space<hbm>> -> memref<128xi32, #tpu.memory_space<hbm>>
      tpu.wait_dma2 semaphore(%run_scoped3A : memref<!tpu.dma_semaphore, #tpu.memory_space<semaphore_mem>>) src(%dma_wait3A_132 : memref<128xi32, #tpu.memory_space<hbm>>) dst(%arg5 : memref<128xi32, #tpu.memory_space<vmem>>)
      tpu.yield
    }) : () -> ()
    %dma_start3A_123 = arith.constant 0 : i32
    %dma_start3A_124 = arith.constant 0 : i32
    %dma_start3A_125 = tpu.memref_slice %arg2[%dma_start3A_123, %dma_start3A_124] : memref<16384x128xf32, #tpu.memory_space<hbm>> -> memref<16384x128xf32, #tpu.memory_space<hbm>>
    tpu.enqueue_indirect_dma source(%dma_start3A_125 : memref<16384x128xf32, #tpu.memory_space<hbm>>) target(%arg6 : memref<128x128xf32, #tpu.memory_space<vmem>>) offsets(%arg5 : memref<128xi32, #tpu.memory_space<vmem>>) semaphore(%arg7 : memref<!tpu.dma_semaphore, #tpu.memory_space<semaphore_mem>>)
    %dma_wait3A_126 = arith.constant 0 : i32
    %dma_wait3A_127 = arith.constant 0 : i32
    %dma_wait3A_128 = tpu.memref_slice %arg2[%dma_wait3A_126, %dma_wait3A_127] : memref<16384x128xf32, #tpu.memory_space<hbm>> -> memref<16384x128xf32, #tpu.memory_space<hbm>>
    tpu.wait_indirect_dma semaphore(%arg7 : memref<!tpu.dma_semaphore, #tpu.memory_space<semaphore_mem>>) src(%dma_wait3A_128 : memref<16384x128xf32, #tpu.memory_space<hbm>>) dst(%arg6 : memref<128x128xf32, #tpu.memory_space<vmem>>)
    "tpu.region"() ({
      %run_scoped3A = tpu.sem_alloc : memref<!tpu.dma_semaphore, #tpu.memory_space<semaphore_mem>>
      %dma_start3A_129 = arith.constant 0 : i32
      %dma_start3A_130 = tpu.memref_slice %arg4[%add3A_122, %dma_start3A_129] : memref<65536x128xf32, #tpu.memory_space<hbm>> -> memref<128x128xf32, #tpu.memory_space<hbm>>
      %dma_start3A_131 = arith.constant 0 : i32
      %dma_start3A_132 = tpu.memref_slice %arg4[%add3A_122, %dma_start3A_131] : memref<65536x128xf32, #tpu.memory_space<hbm>> -> memref<128x128xf32, #tpu.memory_space<hbm>>
      tpu.enqueue_dma source(%arg6 : memref<128x128xf32, #tpu.memory_space<vmem>>) target(%dma_start3A_132 : memref<128x128xf32, #tpu.memory_space<hbm>>) target_semaphore(%run_scoped3A : memref<!tpu.dma_semaphore, #tpu.memory_space<semaphore_mem>>)
      %dma_wait3A_133 = arith.constant 0 : i32
      %dma_wait3A_134 = tpu.memref_slice %arg4[%add3A_122, %dma_wait3A_133] : memref<65536x128xf32, #tpu.memory_space<hbm>> -> memref<128x128xf32, #tpu.memory_space<hbm>>
      %dma_wait3A_135 = arith.constant 0 : i32
      %dma_wait3A_136 = tpu.memref_slice %arg4[%add3A_122, %dma_wait3A_135] : memref<65536x128xf32, #tpu.memory_space<hbm>> -> memref<128x128xf32, #tpu.memory_space<hbm>>
      tpu.wait_dma2 semaphore(%run_scoped3A : memref<!tpu.dma_semaphore, #tpu.memory_space<semaphore_mem>>) src(%arg6 : memref<128x128xf32, #tpu.memory_space<vmem>>) dst(%dma_wait3A_136 : memref<128x128xf32, #tpu.memory_space<hbm>>)
      tpu.yield
    }) : () -> ()
    return
  }
}

module attributes {stable_mosaic.version = 14 : i64} {
  func.func @_fps_body(%arg0: memref<2x3x8x1024xf32, #tpu.memory_space<vmem>>, %arg1: memref<2x3x8x256xf32, #tpu.memory_space<vmem>>) attributes {dimension_semantics = [], scalar_prefetch = 0 : i64, scratch_operands = 0 : i64, tpu.core_type = #tpu.core_type<tc>} {
    %iota3A = tpu.iota {dimensions = array<i32: 0>} : vector<8x1024xi32>
    %mul3A = arith.constant 1024 : i32
    %mul3A_0 = vector.broadcast %mul3A : i32 to vector<8x1024xi32>
    %mul3A_1 = arith.muli %iota3A, %mul3A_0 : vector<8x1024xi32>
    %iota3A_2 = tpu.iota {dimensions = array<i32: 1>} : vector<8x1024xi32>
    %add3A = arith.addi %mul3A_1, %iota3A_2 : vector<8x1024xi32>
    %convert_element_type3A = arith.sitofp %add3A : vector<8x1024xi32> to vector<8x1024xf32>
    %iota3A_3 = tpu.iota {dimensions = array<i32: 0>} : vector<8x256xi32>
    %mul3A_4 = arith.constant 256 : i32
    %mul3A_5 = vector.broadcast %mul3A_4 : i32 to vector<8x256xi32>
    %mul3A_6 = arith.muli %iota3A_3, %mul3A_5 : vector<8x256xi32>
    %iota3A_7 = tpu.iota {dimensions = array<i32: 1>} : vector<8x256xi32>
    %add3A_8 = arith.addi %mul3A_6, %iota3A_7 : vector<8x256xi32>
    %convert_element_type3A_9 = arith.sitofp %add3A_8 : vector<8x256xi32> to vector<8x256xf32>
    %get3A = arith.constant 0 : index
    %get3A_10 = arith.constant 0 : index
    %get3A_11 = arith.constant 0 : index
    %get3A_12 = arith.constant 0 : index
    %get3A_13 = vector.load %arg0[%get3A, %get3A_10, %get3A_11, %get3A_12] : memref<2x3x8x1024xf32, #tpu.memory_space<vmem>>, vector<1x1x8x1024xf32>
    %get3A_14 = vector.shape_cast %get3A_13 : vector<1x1x8x1024xf32> to vector<8x1024xf32>
    %get3A_15 = arith.constant 0 : index
    %get3A_16 = arith.constant 1 : index
    %get3A_17 = arith.constant 0 : index
    %get3A_18 = arith.constant 0 : index
    %get3A_19 = vector.load %arg0[%get3A_15, %get3A_16, %get3A_17, %get3A_18] : memref<2x3x8x1024xf32, #tpu.memory_space<vmem>>, vector<1x1x8x1024xf32>
    %get3A_20 = vector.shape_cast %get3A_19 : vector<1x1x8x1024xf32> to vector<8x1024xf32>
    %get3A_21 = arith.constant 0 : index
    %get3A_22 = arith.constant 2 : index
    %get3A_23 = arith.constant 0 : index
    %get3A_24 = arith.constant 0 : index
    %get3A_25 = vector.load %arg0[%get3A_21, %get3A_22, %get3A_23, %get3A_24] : memref<2x3x8x1024xf32, #tpu.memory_space<vmem>>, vector<1x1x8x1024xf32>
    %get3A_26 = vector.shape_cast %get3A_25 : vector<1x1x8x1024xf32> to vector<8x1024xf32>
    %get3A_27 = arith.constant 1 : index
    %get3A_28 = arith.constant 0 : index
    %get3A_29 = arith.constant 0 : index
    %get3A_30 = arith.constant 0 : index
    %get3A_31 = vector.load %arg0[%get3A_27, %get3A_28, %get3A_29, %get3A_30] : memref<2x3x8x1024xf32, #tpu.memory_space<vmem>>, vector<1x1x8x1024xf32>
    %get3A_32 = vector.shape_cast %get3A_31 : vector<1x1x8x1024xf32> to vector<8x1024xf32>
    %get3A_33 = arith.constant 1 : index
    %get3A_34 = arith.constant 1 : index
    %get3A_35 = arith.constant 0 : index
    %get3A_36 = arith.constant 0 : index
    %get3A_37 = vector.load %arg0[%get3A_33, %get3A_34, %get3A_35, %get3A_36] : memref<2x3x8x1024xf32, #tpu.memory_space<vmem>>, vector<1x1x8x1024xf32>
    %get3A_38 = vector.shape_cast %get3A_37 : vector<1x1x8x1024xf32> to vector<8x1024xf32>
    %get3A_39 = arith.constant 1 : index
    %get3A_40 = arith.constant 2 : index
    %get3A_41 = arith.constant 0 : index
    %get3A_42 = arith.constant 0 : index
    %get3A_43 = vector.load %arg0[%get3A_39, %get3A_40, %get3A_41, %get3A_42] : memref<2x3x8x1024xf32, #tpu.memory_space<vmem>>, vector<1x1x8x1024xf32>
    %get3A_44 = vector.shape_cast %get3A_43 : vector<1x1x8x1024xf32> to vector<8x1024xf32>
    %eq3A = arith.constant 0.000000e+00 : f32
    %eq3A_45 = vector.broadcast %eq3A : f32 to vector<8x1024xf32>
    %eq3A_46 = arith.cmpf oeq, %convert_element_type3A, %eq3A_45 : vector<8x1024xf32>
    %jit3A = arith.constant -1.000000e+30 : f32
    %broadcast_in_dim3A = vector.broadcast %jit3A : f32 to vector<8x1024xf32>
    %select_n3A = arith.select %eq3A_46, %get3A_14, %broadcast_in_dim3A : vector<8x1024xi1>, vector<8x1024xf32>
    %reduce_max3A = vector.shape_cast %select_n3A : vector<8x1024xf32> to vector<1x8x1024xf32>
    %reduce_max3A_47 = arith.constant dense<0xFF800000> : vector<1xf32>
    %reduce_max3A_48 = vector.multi_reduction <maximumf>, %reduce_max3A, %reduce_max3A_47 [1, 2] : vector<1x8x1024xf32> to vector<1xf32>
    %reduce_max3A_49 = vector.shape_cast %reduce_max3A_48 : vector<1xf32> to vector<1x1x1xf32>
    %reduce_max3A_50 = vector.extract %reduce_max3A_49[0, 0, 0] : f32 from vector<1x1x1xf32>
    %jit3A_51 = arith.constant -1.000000e+30 : f32
    %broadcast_in_dim3A_52 = vector.broadcast %jit3A_51 : f32 to vector<8x1024xf32>
    %select_n3A_53 = arith.select %eq3A_46, %get3A_20, %broadcast_in_dim3A_52 : vector<8x1024xi1>, vector<8x1024xf32>
    %reduce_max3A_54 = vector.shape_cast %select_n3A_53 : vector<8x1024xf32> to vector<1x8x1024xf32>
    %reduce_max3A_55 = arith.constant dense<0xFF800000> : vector<1xf32>
    %reduce_max3A_56 = vector.multi_reduction <maximumf>, %reduce_max3A_54, %reduce_max3A_55 [1, 2] : vector<1x8x1024xf32> to vector<1xf32>
    %reduce_max3A_57 = vector.shape_cast %reduce_max3A_56 : vector<1xf32> to vector<1x1x1xf32>
    %reduce_max3A_58 = vector.extract %reduce_max3A_57[0, 0, 0] : f32 from vector<1x1x1xf32>
    %jit3A_59 = arith.constant -1.000000e+30 : f32
    %broadcast_in_dim3A_60 = vector.broadcast %jit3A_59 : f32 to vector<8x1024xf32>
    %select_n3A_61 = arith.select %eq3A_46, %get3A_26, %broadcast_in_dim3A_60 : vector<8x1024xi1>, vector<8x1024xf32>
    %reduce_max3A_62 = vector.shape_cast %select_n3A_61 : vector<8x1024xf32> to vector<1x8x1024xf32>
    %reduce_max3A_63 = arith.constant dense<0xFF800000> : vector<1xf32>
    %reduce_max3A_64 = vector.multi_reduction <maximumf>, %reduce_max3A_62, %reduce_max3A_63 [1, 2] : vector<1x8x1024xf32> to vector<1xf32>
    %reduce_max3A_65 = vector.shape_cast %reduce_max3A_64 : vector<1xf32> to vector<1x1x1xf32>
    %reduce_max3A_66 = vector.extract %reduce_max3A_65[0, 0, 0] : f32 from vector<1x1x1xf32>
    %eq3A_67 = arith.constant 0.000000e+00 : f32
    %eq3A_68 = vector.broadcast %eq3A_67 : f32 to vector<8x256xf32>
    %eq3A_69 = arith.cmpf oeq, %convert_element_type3A_9, %eq3A_68 : vector<8x256xf32>
    %get3A_70 = arith.constant 0 : index
    %get3A_71 = arith.constant 0 : index
    %get3A_72 = arith.constant 0 : index
    %get3A_73 = arith.constant 0 : index
    %get3A_74 = vector.load %arg1[%get3A_70, %get3A_71, %get3A_72, %get3A_73] : memref<2x3x8x256xf32, #tpu.memory_space<vmem>>, vector<1x1x8x256xf32>
    %get3A_75 = vector.shape_cast %get3A_74 : vector<1x1x8x256xf32> to vector<8x256xf32>
    %broadcast_in_dim3A_76 = vector.broadcast %reduce_max3A_50 : f32 to vector<8x256xf32>
    %select_n3A_77 = arith.select %eq3A_69, %broadcast_in_dim3A_76, %get3A_75 : vector<8x256xi1>, vector<8x256xf32>
    %swap3A = arith.constant 0 : index
    %swap3A_78 = arith.constant 0 : index
    %swap3A_79 = arith.constant 0 : index
    %swap3A_80 = arith.constant 0 : index
    %swap3A_81 = vector.load %arg1[%swap3A, %swap3A_78, %swap3A_79, %swap3A_80] : memref<2x3x8x256xf32, #tpu.memory_space<vmem>>, vector<1x1x8x256xf32>
    %swap3A_82 = vector.shape_cast %swap3A_81 : vector<1x1x8x256xf32> to vector<8x256xf32>
    %swap3A_83 = vector.shape_cast %select_n3A_77 : vector<8x256xf32> to vector<1x1x8x256xf32>
    tpu.vector_store %arg1[%swap3A, %swap3A_78, %swap3A_79, %swap3A_80], %swap3A_83 {strides = array<i32>} : memref<2x3x8x256xf32, #tpu.memory_space<vmem>>, vector<1x1x8x256xf32>,
    %get3A_84 = arith.constant 0 : index
    %get3A_85 = arith.constant 1 : index
    %get3A_86 = arith.constant 0 : index
    %get3A_87 = arith.constant 0 : index
    %get3A_88 = vector.load %arg1[%get3A_84, %get3A_85, %get3A_86, %get3A_87] : memref<2x3x8x256xf32, #tpu.memory_space<vmem>>, vector<1x1x8x256xf32>
    %get3A_89 = vector.shape_cast %get3A_88 : vector<1x1x8x256xf32> to vector<8x256xf32>
    %broadcast_in_dim3A_90 = vector.broadcast %reduce_max3A_58 : f32 to vector<8x256xf32>
    %select_n3A_91 = arith.select %eq3A_69, %broadcast_in_dim3A_90, %get3A_89 : vector<8x256xi1>, vector<8x256xf32>
    %swap3A_92 = arith.constant 0 : index
    %swap3A_93 = arith.constant 1 : index
    %swap3A_94 = arith.constant 0 : index
    %swap3A_95 = arith.constant 0 : index
    %swap3A_96 = vector.load %arg1[%swap3A_92, %swap3A_93, %swap3A_94, %swap3A_95] : memref<2x3x8x256xf32, #tpu.memory_space<vmem>>, vector<1x1x8x256xf32>
    %swap3A_97 = vector.shape_cast %swap3A_96 : vector<1x1x8x256xf32> to vector<8x256xf32>
    %swap3A_98 = vector.shape_cast %select_n3A_91 : vector<8x256xf32> to vector<1x1x8x256xf32>
    tpu.vector_store %arg1[%swap3A_92, %swap3A_93, %swap3A_94, %swap3A_95], %swap3A_98 {strides = array<i32>} : memref<2x3x8x256xf32, #tpu.memory_space<vmem>>, vector<1x1x8x256xf32>,
    %get3A_99 = arith.constant 0 : index
    %get3A_100 = arith.constant 2 : index
    %get3A_101 = arith.constant 0 : index
    %get3A_102 = arith.constant 0 : index
    %get3A_103 = vector.load %arg1[%get3A_99, %get3A_100, %get3A_101, %get3A_102] : memref<2x3x8x256xf32, #tpu.memory_space<vmem>>, vector<1x1x8x256xf32>
    %get3A_104 = vector.shape_cast %get3A_103 : vector<1x1x8x256xf32> to vector<8x256xf32>
    %broadcast_in_dim3A_105 = vector.broadcast %reduce_max3A_66 : f32 to vector<8x256xf32>
    %select_n3A_106 = arith.select %eq3A_69, %broadcast_in_dim3A_105, %get3A_104 : vector<8x256xi1>, vector<8x256xf32>
    %swap3A_107 = arith.constant 0 : index
    %swap3A_108 = arith.constant 2 : index
    %swap3A_109 = arith.constant 0 : index
    %swap3A_110 = arith.constant 0 : index
    %swap3A_111 = vector.load %arg1[%swap3A_107, %swap3A_108, %swap3A_109, %swap3A_110] : memref<2x3x8x256xf32, #tpu.memory_space<vmem>>, vector<1x1x8x256xf32>
    %swap3A_112 = vector.shape_cast %swap3A_111 : vector<1x1x8x256xf32> to vector<8x256xf32>
    %swap3A_113 = vector.shape_cast %select_n3A_106 : vector<8x256xf32> to vector<1x1x8x256xf32>
    tpu.vector_store %arg1[%swap3A_107, %swap3A_108, %swap3A_109, %swap3A_110], %swap3A_113 {strides = array<i32>} : memref<2x3x8x256xf32, #tpu.memory_space<vmem>>, vector<1x1x8x256xf32>,
    %broadcast_in_dim3A_114 = arith.constant 1.000000e+10 : f32
    %broadcast_in_dim3A_115 = vector.broadcast %broadcast_in_dim3A_114 : f32 to vector<8x1024xf32>
    %eq3A_116 = arith.constant 0.000000e+00 : f32
    %eq3A_117 = vector.broadcast %eq3A_116 : f32 to vector<8x1024xf32>
    %eq3A_118 = arith.cmpf oeq, %convert_element_type3A, %eq3A_117 : vector<8x1024xf32>
    %jit3A_119 = arith.constant -1.000000e+30 : f32
    %broadcast_in_dim3A_120 = vector.broadcast %jit3A_119 : f32 to vector<8x1024xf32>
    %select_n3A_121 = arith.select %eq3A_118, %get3A_32, %broadcast_in_dim3A_120 : vector<8x1024xi1>, vector<8x1024xf32>
    %reduce_max3A_122 = vector.shape_cast %select_n3A_121 : vector<8x1024xf32> to vector<1x8x1024xf32>
    %reduce_max3A_123 = arith.constant dense<0xFF800000> : vector<1xf32>
    %reduce_max3A_124 = vector.multi_reduction <maximumf>, %reduce_max3A_122, %reduce_max3A_123 [1, 2] : vector<1x8x1024xf32> to vector<1xf32>
    %reduce_max3A_125 = vector.shape_cast %reduce_max3A_124 : vector<1xf32> to vector<1x1x1xf32>
    %reduce_max3A_126 = vector.extract %reduce_max3A_125[0, 0, 0] : f32 from vector<1x1x1xf32>
    %jit3A_127 = arith.constant -1.000000e+30 : f32
    %broadcast_in_dim3A_128 = vector.broadcast %jit3A_127 : f32 to vector<8x1024xf32>
    %select_n3A_129 = arith.select %eq3A_118, %get3A_38, %broadcast_in_dim3A_128 : vector<8x1024xi1>, vector<8x1024xf32>
    %reduce_max3A_130 = vector.shape_cast %select_n3A_129 : vector<8x1024xf32> to vector<1x8x1024xf32>
    %reduce_max3A_131 = arith.constant dense<0xFF800000> : vector<1xf32>
    %reduce_max3A_132 = vector.multi_reduction <maximumf>, %reduce_max3A_130, %reduce_max3A_131 [1, 2] : vector<1x8x1024xf32> to vector<1xf32>
    %reduce_max3A_133 = vector.shape_cast %reduce_max3A_132 : vector<1xf32> to vector<1x1x1xf32>
    %reduce_max3A_134 = vector.extract %reduce_max3A_133[0, 0, 0] : f32 from vector<1x1x1xf32>
    %jit3A_135 = arith.constant -1.000000e+30 : f32
    %broadcast_in_dim3A_136 = vector.broadcast %jit3A_135 : f32 to vector<8x1024xf32>
    %select_n3A_137 = arith.select %eq3A_118, %get3A_44, %broadcast_in_dim3A_136 : vector<8x1024xi1>, vector<8x1024xf32>
    %reduce_max3A_138 = vector.shape_cast %select_n3A_137 : vector<8x1024xf32> to vector<1x8x1024xf32>
    %reduce_max3A_139 = arith.constant dense<0xFF800000> : vector<1xf32>
    %reduce_max3A_140 = vector.multi_reduction <maximumf>, %reduce_max3A_138, %reduce_max3A_139 [1, 2] : vector<1x8x1024xf32> to vector<1xf32>
    %reduce_max3A_141 = vector.shape_cast %reduce_max3A_140 : vector<1xf32> to vector<1x1x1xf32>
    %reduce_max3A_142 = vector.extract %reduce_max3A_141[0, 0, 0] : f32 from vector<1x1x1xf32>
    %eq3A_143 = arith.constant 0.000000e+00 : f32
    %eq3A_144 = vector.broadcast %eq3A_143 : f32 to vector<8x256xf32>
    %eq3A_145 = arith.cmpf oeq, %convert_element_type3A_9, %eq3A_144 : vector<8x256xf32>
    %get3A_146 = arith.constant 1 : index
    %get3A_147 = arith.constant 0 : index
    %get3A_148 = arith.constant 0 : index
    %get3A_149 = arith.constant 0 : index
    %get3A_150 = vector.load %arg1[%get3A_146, %get3A_147, %get3A_148, %get3A_149] : memref<2x3x8x256xf32, #tpu.memory_space<vmem>>, vector<1x1x8x256xf32>
    %get3A_151 = vector.shape_cast %get3A_150 : vector<1x1x8x256xf32> to vector<8x256xf32>
    %broadcast_in_dim3A_152 = vector.broadcast %reduce_max3A_126 : f32 to vector<8x256xf32>
    %select_n3A_153 = arith.select %eq3A_145, %broadcast_in_dim3A_152, %get3A_151 : vector<8x256xi1>, vector<8x256xf32>
    %swap3A_154 = arith.constant 1 : index
    %swap3A_155 = arith.constant 0 : index
    %swap3A_156 = arith.constant 0 : index
    %swap3A_157 = arith.constant 0 : index
    %swap3A_158 = vector.load %arg1[%swap3A_154, %swap3A_155, %swap3A_156, %swap3A_157] : memref<2x3x8x256xf32, #tpu.memory_space<vmem>>, vector<1x1x8x256xf32>
    %swap3A_159 = vector.shape_cast %swap3A_158 : vector<1x1x8x256xf32> to vector<8x256xf32>
    %swap3A_160 = vector.shape_cast %select_n3A_153 : vector<8x256xf32> to vector<1x1x8x256xf32>
    tpu.vector_store %arg1[%swap3A_154, %swap3A_155, %swap3A_156, %swap3A_157], %swap3A_160 {strides = array<i32>} : memref<2x3x8x256xf32, #tpu.memory_space<vmem>>, vector<1x1x8x256xf32>,
    %get3A_161 = arith.constant 1 : index
    %get3A_162 = arith.constant 1 : index
    %get3A_163 = arith.constant 0 : index
    %get3A_164 = arith.constant 0 : index
    %get3A_165 = vector.load %arg1[%get3A_161, %get3A_162, %get3A_163, %get3A_164] : memref<2x3x8x256xf32, #tpu.memory_space<vmem>>, vector<1x1x8x256xf32>
    %get3A_166 = vector.shape_cast %get3A_165 : vector<1x1x8x256xf32> to vector<8x256xf32>
    %broadcast_in_dim3A_167 = vector.broadcast %reduce_max3A_134 : f32 to vector<8x256xf32>
    %select_n3A_168 = arith.select %eq3A_145, %broadcast_in_dim3A_167, %get3A_166 : vector<8x256xi1>, vector<8x256xf32>
    %swap3A_169 = arith.constant 1 : index
    %swap3A_170 = arith.constant 1 : index
    %swap3A_171 = arith.constant 0 : index
    %swap3A_172 = arith.constant 0 : index
    %swap3A_173 = vector.load %arg1[%swap3A_169, %swap3A_170, %swap3A_171, %swap3A_172] : memref<2x3x8x256xf32, #tpu.memory_space<vmem>>, vector<1x1x8x256xf32>
    %swap3A_174 = vector.shape_cast %swap3A_173 : vector<1x1x8x256xf32> to vector<8x256xf32>
    %swap3A_175 = vector.shape_cast %select_n3A_168 : vector<8x256xf32> to vector<1x1x8x256xf32>
    tpu.vector_store %arg1[%swap3A_169, %swap3A_170, %swap3A_171, %swap3A_172], %swap3A_175 {strides = array<i32>} : memref<2x3x8x256xf32, #tpu.memory_space<vmem>>, vector<1x1x8x256xf32>,
    %get3A_176 = arith.constant 1 : index
    %get3A_177 = arith.constant 2 : index
    %get3A_178 = arith.constant 0 : index
    %get3A_179 = arith.constant 0 : index
    %get3A_180 = vector.load %arg1[%get3A_176, %get3A_177, %get3A_178, %get3A_179] : memref<2x3x8x256xf32, #tpu.memory_space<vmem>>, vector<1x1x8x256xf32>
    %get3A_181 = vector.shape_cast %get3A_180 : vector<1x1x8x256xf32> to vector<8x256xf32>
    %broadcast_in_dim3A_182 = vector.broadcast %reduce_max3A_142 : f32 to vector<8x256xf32>
    %select_n3A_183 = arith.select %eq3A_145, %broadcast_in_dim3A_182, %get3A_181 : vector<8x256xi1>, vector<8x256xf32>
    %swap3A_184 = arith.constant 1 : index
    %swap3A_185 = arith.constant 2 : index
    %swap3A_186 = arith.constant 0 : index
    %swap3A_187 = arith.constant 0 : index
    %swap3A_188 = vector.load %arg1[%swap3A_184, %swap3A_185, %swap3A_186, %swap3A_187] : memref<2x3x8x256xf32, #tpu.memory_space<vmem>>, vector<1x1x8x256xf32>
    %swap3A_189 = vector.shape_cast %swap3A_188 : vector<1x1x8x256xf32> to vector<8x256xf32>
    %swap3A_190 = vector.shape_cast %select_n3A_183 : vector<8x256xf32> to vector<1x1x8x256xf32>
    tpu.vector_store %arg1[%swap3A_184, %swap3A_185, %swap3A_186, %swap3A_187], %swap3A_190 {strides = array<i32>} : memref<2x3x8x256xf32, #tpu.memory_space<vmem>>, vector<1x1x8x256xf32>,
    %broadcast_in_dim3A_191 = arith.constant 1.000000e+10 : f32
    %broadcast_in_dim3A_192 = vector.broadcast %broadcast_in_dim3A_191 : f32 to vector<8x1024xf32>
    %scan3A = arith.constant 1 : i32
    %scan3A_193 = arith.constant 2047 : i32
    %scan3A_194 = arith.addi %scan3A, %scan3A_193 : i32
    %scan3A_195 = arith.constant 1 : i32
    %scan3A_196:8 = scf.for %scan3A_198 = %scan3A to %scan3A_194 step %scan3A_195 iter_args(%scan3A_199 = %reduce_max3A_50, %scan3A_200 = %reduce_max3A_58, %scan3A_201 = %reduce_max3A_66, %scan3A_202 = %reduce_max3A_126, %scan3A_203 = %reduce_max3A_134, %scan3A_204 = %reduce_max3A_142, %scan3A_205 = %broadcast_in_dim3A_115, %scan3A_206 = %broadcast_in_dim3A_192) -> (f32, f32, f32, f32, f32, f32, vector<8x1024xf32>, vector<8x1024xf32>)  : i32 {
      %convert_element_type3A_207 = arith.sitofp %scan3A_198 : i32 to f32
      %sub3A = vector.broadcast %scan3A_199 : f32 to vector<8x1024xf32>
      %sub3A_208 = arith.subf %get3A_14, %sub3A : vector<8x1024xf32>
      %sub3A_209 = vector.broadcast %scan3A_200 : f32 to vector<8x1024xf32>
      %sub3A_210 = arith.subf %get3A_20, %sub3A_209 : vector<8x1024xf32>
      %sub3A_211 = vector.broadcast %scan3A_201 : f32 to vector<8x1024xf32>
      %sub3A_212 = arith.subf %get3A_26, %sub3A_211 : vector<8x1024xf32>
      %mul3A_213 = arith.mulf %sub3A_208, %sub3A_208 : vector<8x1024xf32>
      %mul3A_214 = arith.mulf %sub3A_212, %sub3A_212 : vector<8x1024xf32>
      %add3A_215 = arith.addf %mul3A_213, %mul3A_214 : vector<8x1024xf32>
      %mul3A_216 = arith.mulf %sub3A_210, %sub3A_210 : vector<8x1024xf32>
      %add3A_217 = arith.addf %add3A_215, %mul3A_216 : vector<8x1024xf32>
      %min3A = arith.minimumf %scan3A_205, %add3A_217 : vector<8x1024xf32>
      %reduce_max3A_218 = vector.shape_cast %min3A : vector<8x1024xf32> to vector<1x8x1024xf32>
      %reduce_max3A_219 = arith.constant dense<0xFF800000> : vector<1xf32>
      %reduce_max3A_220 = vector.multi_reduction <maximumf>, %reduce_max3A_218, %reduce_max3A_219 [1, 2] : vector<1x8x1024xf32> to vector<1xf32>
      %reduce_max3A_221 = vector.shape_cast %reduce_max3A_220 : vector<1xf32> to vector<1x1x1xf32>
      %reduce_max3A_222 = vector.extract %reduce_max3A_221[0, 0, 0] : f32 from vector<1x1x1xf32>
      %eq3A_223 = vector.broadcast %reduce_max3A_222 : f32 to vector<8x1024xf32>
      %eq3A_224 = arith.cmpf oeq, %min3A, %eq3A_223 : vector<8x1024xf32>
      %jit3A_225 = arith.constant 1.000000e+30 : f32
      %broadcast_in_dim3A_226 = vector.broadcast %jit3A_225 : f32 to vector<8x1024xf32>
      %select_n3A_227 = arith.select %eq3A_224, %convert_element_type3A, %broadcast_in_dim3A_226 : vector<8x1024xi1>, vector<8x1024xf32>
      %reduce_min3A = vector.shape_cast %select_n3A_227 : vector<8x1024xf32> to vector<1x8x1024xf32>
      %reduce_min3A_228 = arith.constant dense<0x7F800000> : vector<1xf32>
      %reduce_min3A_229 = vector.multi_reduction <minimumf>, %reduce_min3A, %reduce_min3A_228 [1, 2] : vector<1x8x1024xf32> to vector<1xf32>
      %reduce_min3A_230 = vector.shape_cast %reduce_min3A_229 : vector<1xf32> to vector<1x1x1xf32>
      %reduce_min3A_231 = vector.extract %reduce_min3A_230[0, 0, 0] : f32 from vector<1x1x1xf32>
      %eq3A_232 = vector.broadcast %reduce_min3A_231 : f32 to vector<8x1024xf32>
      %eq3A_233 = arith.cmpf oeq, %convert_element_type3A, %eq3A_232 : vector<8x1024xf32>
      %jit3A_234 = arith.constant -1.000000e+30 : f32
      %broadcast_in_dim3A_235 = vector.broadcast %jit3A_234 : f32 to vector<8x1024xf32>
      %select_n3A_236 = arith.select %eq3A_233, %get3A_14, %broadcast_in_dim3A_235 : vector<8x1024xi1>, vector<8x1024xf32>
      %reduce_max3A_237 = vector.shape_cast %select_n3A_236 : vector<8x1024xf32> to vector<1x8x1024xf32>
      %reduce_max3A_238 = arith.constant dense<0xFF800000> : vector<1xf32>
      %reduce_max3A_239 = vector.multi_reduction <maximumf>, %reduce_max3A_237, %reduce_max3A_238 [1, 2] : vector<1x8x1024xf32> to vector<1xf32>
      %reduce_max3A_240 = vector.shape_cast %reduce_max3A_239 : vector<1xf32> to vector<1x1x1xf32>
      %reduce_max3A_241 = vector.extract %reduce_max3A_240[0, 0, 0] : f32 from vector<1x1x1xf32>
      %jit3A_242 = arith.constant -1.000000e+30 : f32
      %broadcast_in_dim3A_243 = vector.broadcast %jit3A_242 : f32 to vector<8x1024xf32>
      %select_n3A_244 = arith.select %eq3A_233, %get3A_20, %broadcast_in_dim3A_243 : vector<8x1024xi1>, vector<8x1024xf32>
      %reduce_max3A_245 = vector.shape_cast %select_n3A_244 : vector<8x1024xf32> to vector<1x8x1024xf32>
      %reduce_max3A_246 = arith.constant dense<0xFF800000> : vector<1xf32>
      %reduce_max3A_247 = vector.multi_reduction <maximumf>, %reduce_max3A_245, %reduce_max3A_246 [1, 2] : vector<1x8x1024xf32> to vector<1xf32>
      %reduce_max3A_248 = vector.shape_cast %reduce_max3A_247 : vector<1xf32> to vector<1x1x1xf32>
      %reduce_max3A_249 = vector.extract %reduce_max3A_248[0, 0, 0] : f32 from vector<1x1x1xf32>
      %jit3A_250 = arith.constant -1.000000e+30 : f32
      %broadcast_in_dim3A_251 = vector.broadcast %jit3A_250 : f32 to vector<8x1024xf32>
      %select_n3A_252 = arith.select %eq3A_233, %get3A_26, %broadcast_in_dim3A_251 : vector<8x1024xi1>, vector<8x1024xf32>
      %reduce_max3A_253 = vector.shape_cast %select_n3A_252 : vector<8x1024xf32> to vector<1x8x1024xf32>
      %reduce_max3A_254 = arith.constant dense<0xFF800000> : vector<1xf32>
      %reduce_max3A_255 = vector.multi_reduction <maximumf>, %reduce_max3A_253, %reduce_max3A_254 [1, 2] : vector<1x8x1024xf32> to vector<1xf32>
      %reduce_max3A_256 = vector.shape_cast %reduce_max3A_255 : vector<1xf32> to vector<1x1x1xf32>
      %reduce_max3A_257 = vector.extract %reduce_max3A_256[0, 0, 0] : f32 from vector<1x1x1xf32>
      %eq3A_258 = vector.broadcast %convert_element_type3A_207 : f32 to vector<8x256xf32>
      %eq3A_259 = arith.cmpf oeq, %convert_element_type3A_9, %eq3A_258 : vector<8x256xf32>
      %get3A_260 = arith.constant 0 : index
      %get3A_261 = arith.constant 0 : index
      %get3A_262 = arith.constant 0 : index
      %get3A_263 = arith.constant 0 : index
      %get3A_264 = vector.load %arg1[%get3A_260, %get3A_261, %get3A_262, %get3A_263] : memref<2x3x8x256xf32, #tpu.memory_space<vmem>>, vector<1x1x8x256xf32>
      %get3A_265 = vector.shape_cast %get3A_264 : vector<1x1x8x256xf32> to vector<8x256xf32>
      %broadcast_in_dim3A_266 = vector.broadcast %reduce_max3A_241 : f32 to vector<8x256xf32>
      %select_n3A_267 = arith.select %eq3A_259, %broadcast_in_dim3A_266, %get3A_265 : vector<8x256xi1>, vector<8x256xf32>
      %swap3A_268 = arith.constant 0 : index
      %swap3A_269 = arith.constant 0 : index
      %swap3A_270 = arith.constant 0 : index
      %swap3A_271 = arith.constant 0 : index
      %swap3A_272 = vector.load %arg1[%swap3A_268, %swap3A_269, %swap3A_270, %swap3A_271] : memref<2x3x8x256xf32, #tpu.memory_space<vmem>>, vector<1x1x8x256xf32>
      %swap3A_273 = vector.shape_cast %swap3A_272 : vector<1x1x8x256xf32> to vector<8x256xf32>
      %swap3A_274 = vector.shape_cast %select_n3A_267 : vector<8x256xf32> to vector<1x1x8x256xf32>
      tpu.vector_store %arg1[%swap3A_268, %swap3A_269, %swap3A_270, %swap3A_271], %swap3A_274 {strides = array<i32>} : memref<2x3x8x256xf32, #tpu.memory_space<vmem>>, vector<1x1x8x256xf32>,
      %get3A_275 = arith.constant 0 : index
      %get3A_276 = arith.constant 1 : index
      %get3A_277 = arith.constant 0 : index
      %get3A_278 = arith.constant 0 : index
      %get3A_279 = vector.load %arg1[%get3A_275, %get3A_276, %get3A_277, %get3A_278] : memref<2x3x8x256xf32, #tpu.memory_space<vmem>>, vector<1x1x8x256xf32>
      %get3A_280 = vector.shape_cast %get3A_279 : vector<1x1x8x256xf32> to vector<8x256xf32>
      %broadcast_in_dim3A_281 = vector.broadcast %reduce_max3A_249 : f32 to vector<8x256xf32>
      %select_n3A_282 = arith.select %eq3A_259, %broadcast_in_dim3A_281, %get3A_280 : vector<8x256xi1>, vector<8x256xf32>
      %swap3A_283 = arith.constant 0 : index
      %swap3A_284 = arith.constant 1 : index
      %swap3A_285 = arith.constant 0 : index
      %swap3A_286 = arith.constant 0 : index
      %swap3A_287 = vector.load %arg1[%swap3A_283, %swap3A_284, %swap3A_285, %swap3A_286] : memref<2x3x8x256xf32, #tpu.memory_space<vmem>>, vector<1x1x8x256xf32>
      %swap3A_288 = vector.shape_cast %swap3A_287 : vector<1x1x8x256xf32> to vector<8x256xf32>
      %swap3A_289 = vector.shape_cast %select_n3A_282 : vector<8x256xf32> to vector<1x1x8x256xf32>
      tpu.vector_store %arg1[%swap3A_283, %swap3A_284, %swap3A_285, %swap3A_286], %swap3A_289 {strides = array<i32>} : memref<2x3x8x256xf32, #tpu.memory_space<vmem>>, vector<1x1x8x256xf32>,
      %get3A_290 = arith.constant 0 : index
      %get3A_291 = arith.constant 2 : index
      %get3A_292 = arith.constant 0 : index
      %get3A_293 = arith.constant 0 : index
      %get3A_294 = vector.load %arg1[%get3A_290, %get3A_291, %get3A_292, %get3A_293] : memref<2x3x8x256xf32, #tpu.memory_space<vmem>>, vector<1x1x8x256xf32>
      %get3A_295 = vector.shape_cast %get3A_294 : vector<1x1x8x256xf32> to vector<8x256xf32>
      %broadcast_in_dim3A_296 = vector.broadcast %reduce_max3A_257 : f32 to vector<8x256xf32>
      %select_n3A_297 = arith.select %eq3A_259, %broadcast_in_dim3A_296, %get3A_295 : vector<8x256xi1>, vector<8x256xf32>
      %swap3A_298 = arith.constant 0 : index
      %swap3A_299 = arith.constant 2 : index
      %swap3A_300 = arith.constant 0 : index
      %swap3A_301 = arith.constant 0 : index
      %swap3A_302 = vector.load %arg1[%swap3A_298, %swap3A_299, %swap3A_300, %swap3A_301] : memref<2x3x8x256xf32, #tpu.memory_space<vmem>>, vector<1x1x8x256xf32>
      %swap3A_303 = vector.shape_cast %swap3A_302 : vector<1x1x8x256xf32> to vector<8x256xf32>
      %swap3A_304 = vector.shape_cast %select_n3A_297 : vector<8x256xf32> to vector<1x1x8x256xf32>
      tpu.vector_store %arg1[%swap3A_298, %swap3A_299, %swap3A_300, %swap3A_301], %swap3A_304 {strides = array<i32>} : memref<2x3x8x256xf32, #tpu.memory_space<vmem>>, vector<1x1x8x256xf32>,
      %sub3A_305 = vector.broadcast %scan3A_202 : f32 to vector<8x1024xf32>
      %sub3A_306 = arith.subf %get3A_32, %sub3A_305 : vector<8x1024xf32>
      %sub3A_307 = vector.broadcast %scan3A_203 : f32 to vector<8x1024xf32>
      %sub3A_308 = arith.subf %get3A_38, %sub3A_307 : vector<8x1024xf32>
      %sub3A_309 = vector.broadcast %scan3A_204 : f32 to vector<8x1024xf32>
      %sub3A_310 = arith.subf %get3A_44, %sub3A_309 : vector<8x1024xf32>
      %mul3A_311 = arith.mulf %sub3A_306, %sub3A_306 : vector<8x1024xf32>
      %mul3A_312 = arith.mulf %sub3A_310, %sub3A_310 : vector<8x1024xf32>
      %add3A_313 = arith.addf %mul3A_311, %mul3A_312 : vector<8x1024xf32>
      %mul3A_314 = arith.mulf %sub3A_308, %sub3A_308 : vector<8x1024xf32>
      %add3A_315 = arith.addf %add3A_313, %mul3A_314 : vector<8x1024xf32>
      %min3A_316 = arith.minimumf %scan3A_206, %add3A_315 : vector<8x1024xf32>
      %reduce_max3A_317 = vector.shape_cast %min3A_316 : vector<8x1024xf32> to vector<1x8x1024xf32>
      %reduce_max3A_318 = arith.constant dense<0xFF800000> : vector<1xf32>
      %reduce_max3A_319 = vector.multi_reduction <maximumf>, %reduce_max3A_317, %reduce_max3A_318 [1, 2] : vector<1x8x1024xf32> to vector<1xf32>
      %reduce_max3A_320 = vector.shape_cast %reduce_max3A_319 : vector<1xf32> to vector<1x1x1xf32>
      %reduce_max3A_321 = vector.extract %reduce_max3A_320[0, 0, 0] : f32 from vector<1x1x1xf32>
      %eq3A_322 = vector.broadcast %reduce_max3A_321 : f32 to vector<8x1024xf32>
      %eq3A_323 = arith.cmpf oeq, %min3A_316, %eq3A_322 : vector<8x1024xf32>
      %jit3A_324 = arith.constant 1.000000e+30 : f32
      %broadcast_in_dim3A_325 = vector.broadcast %jit3A_324 : f32 to vector<8x1024xf32>
      %select_n3A_326 = arith.select %eq3A_323, %convert_element_type3A, %broadcast_in_dim3A_325 : vector<8x1024xi1>, vector<8x1024xf32>
      %reduce_min3A_327 = vector.shape_cast %select_n3A_326 : vector<8x1024xf32> to vector<1x8x1024xf32>
      %reduce_min3A_328 = arith.constant dense<0x7F800000> : vector<1xf32>
      %reduce_min3A_329 = vector.multi_reduction <minimumf>, %reduce_min3A_327, %reduce_min3A_328 [1, 2] : vector<1x8x1024xf32> to vector<1xf32>
      %reduce_min3A_330 = vector.shape_cast %reduce_min3A_329 : vector<1xf32> to vector<1x1x1xf32>
      %reduce_min3A_331 = vector.extract %reduce_min3A_330[0, 0, 0] : f32 from vector<1x1x1xf32>
      %eq3A_332 = vector.broadcast %reduce_min3A_331 : f32 to vector<8x1024xf32>
      %eq3A_333 = arith.cmpf oeq, %convert_element_type3A, %eq3A_332 : vector<8x1024xf32>
      %jit3A_334 = arith.constant -1.000000e+30 : f32
      %broadcast_in_dim3A_335 = vector.broadcast %jit3A_334 : f32 to vector<8x1024xf32>
      %select_n3A_336 = arith.select %eq3A_333, %get3A_32, %broadcast_in_dim3A_335 : vector<8x1024xi1>, vector<8x1024xf32>
      %reduce_max3A_337 = vector.shape_cast %select_n3A_336 : vector<8x1024xf32> to vector<1x8x1024xf32>
      %reduce_max3A_338 = arith.constant dense<0xFF800000> : vector<1xf32>
      %reduce_max3A_339 = vector.multi_reduction <maximumf>, %reduce_max3A_337, %reduce_max3A_338 [1, 2] : vector<1x8x1024xf32> to vector<1xf32>
      %reduce_max3A_340 = vector.shape_cast %reduce_max3A_339 : vector<1xf32> to vector<1x1x1xf32>
      %reduce_max3A_341 = vector.extract %reduce_max3A_340[0, 0, 0] : f32 from vector<1x1x1xf32>
      %jit3A_342 = arith.constant -1.000000e+30 : f32
      %broadcast_in_dim3A_343 = vector.broadcast %jit3A_342 : f32 to vector<8x1024xf32>
      %select_n3A_344 = arith.select %eq3A_333, %get3A_38, %broadcast_in_dim3A_343 : vector<8x1024xi1>, vector<8x1024xf32>
      %reduce_max3A_345 = vector.shape_cast %select_n3A_344 : vector<8x1024xf32> to vector<1x8x1024xf32>
      %reduce_max3A_346 = arith.constant dense<0xFF800000> : vector<1xf32>
      %reduce_max3A_347 = vector.multi_reduction <maximumf>, %reduce_max3A_345, %reduce_max3A_346 [1, 2] : vector<1x8x1024xf32> to vector<1xf32>
      %reduce_max3A_348 = vector.shape_cast %reduce_max3A_347 : vector<1xf32> to vector<1x1x1xf32>
      %reduce_max3A_349 = vector.extract %reduce_max3A_348[0, 0, 0] : f32 from vector<1x1x1xf32>
      %jit3A_350 = arith.constant -1.000000e+30 : f32
      %broadcast_in_dim3A_351 = vector.broadcast %jit3A_350 : f32 to vector<8x1024xf32>
      %select_n3A_352 = arith.select %eq3A_333, %get3A_44, %broadcast_in_dim3A_351 : vector<8x1024xi1>, vector<8x1024xf32>
      %reduce_max3A_353 = vector.shape_cast %select_n3A_352 : vector<8x1024xf32> to vector<1x8x1024xf32>
      %reduce_max3A_354 = arith.constant dense<0xFF800000> : vector<1xf32>
      %reduce_max3A_355 = vector.multi_reduction <maximumf>, %reduce_max3A_353, %reduce_max3A_354 [1, 2] : vector<1x8x1024xf32> to vector<1xf32>
      %reduce_max3A_356 = vector.shape_cast %reduce_max3A_355 : vector<1xf32> to vector<1x1x1xf32>
      %reduce_max3A_357 = vector.extract %reduce_max3A_356[0, 0, 0] : f32 from vector<1x1x1xf32>
      %eq3A_358 = vector.broadcast %convert_element_type3A_207 : f32 to vector<8x256xf32>
      %eq3A_359 = arith.cmpf oeq, %convert_element_type3A_9, %eq3A_358 : vector<8x256xf32>
      %get3A_360 = arith.constant 1 : index
      %get3A_361 = arith.constant 0 : index
      %get3A_362 = arith.constant 0 : index
      %get3A_363 = arith.constant 0 : index
      %get3A_364 = vector.load %arg1[%get3A_360, %get3A_361, %get3A_362, %get3A_363] : memref<2x3x8x256xf32, #tpu.memory_space<vmem>>, vector<1x1x8x256xf32>
      %get3A_365 = vector.shape_cast %get3A_364 : vector<1x1x8x256xf32> to vector<8x256xf32>
      %broadcast_in_dim3A_366 = vector.broadcast %reduce_max3A_341 : f32 to vector<8x256xf32>
      %select_n3A_367 = arith.select %eq3A_359, %broadcast_in_dim3A_366, %get3A_365 : vector<8x256xi1>, vector<8x256xf32>
      %swap3A_368 = arith.constant 1 : index
      %swap3A_369 = arith.constant 0 : index
      %swap3A_370 = arith.constant 0 : index
      %swap3A_371 = arith.constant 0 : index
      %swap3A_372 = vector.load %arg1[%swap3A_368, %swap3A_369, %swap3A_370, %swap3A_371] : memref<2x3x8x256xf32, #tpu.memory_space<vmem>>, vector<1x1x8x256xf32>
      %swap3A_373 = vector.shape_cast %swap3A_372 : vector<1x1x8x256xf32> to vector<8x256xf32>
      %swap3A_374 = vector.shape_cast %select_n3A_367 : vector<8x256xf32> to vector<1x1x8x256xf32>
      tpu.vector_store %arg1[%swap3A_368, %swap3A_369, %swap3A_370, %swap3A_371], %swap3A_374 {strides = array<i32>} : memref<2x3x8x256xf32, #tpu.memory_space<vmem>>, vector<1x1x8x256xf32>,
      %get3A_375 = arith.constant 1 : index
      %get3A_376 = arith.constant 1 : index
      %get3A_377 = arith.constant 0 : index
      %get3A_378 = arith.constant 0 : index
      %get3A_379 = vector.load %arg1[%get3A_375, %get3A_376, %get3A_377, %get3A_378] : memref<2x3x8x256xf32, #tpu.memory_space<vmem>>, vector<1x1x8x256xf32>
      %get3A_380 = vector.shape_cast %get3A_379 : vector<1x1x8x256xf32> to vector<8x256xf32>
      %broadcast_in_dim3A_381 = vector.broadcast %reduce_max3A_349 : f32 to vector<8x256xf32>
      %select_n3A_382 = arith.select %eq3A_359, %broadcast_in_dim3A_381, %get3A_380 : vector<8x256xi1>, vector<8x256xf32>
      %swap3A_383 = arith.constant 1 : index
      %swap3A_384 = arith.constant 1 : index
      %swap3A_385 = arith.constant 0 : index
      %swap3A_386 = arith.constant 0 : index
      %swap3A_387 = vector.load %arg1[%swap3A_383, %swap3A_384, %swap3A_385, %swap3A_386] : memref<2x3x8x256xf32, #tpu.memory_space<vmem>>, vector<1x1x8x256xf32>
      %swap3A_388 = vector.shape_cast %swap3A_387 : vector<1x1x8x256xf32> to vector<8x256xf32>
      %swap3A_389 = vector.shape_cast %select_n3A_382 : vector<8x256xf32> to vector<1x1x8x256xf32>
      tpu.vector_store %arg1[%swap3A_383, %swap3A_384, %swap3A_385, %swap3A_386], %swap3A_389 {strides = array<i32>} : memref<2x3x8x256xf32, #tpu.memory_space<vmem>>, vector<1x1x8x256xf32>,
      %get3A_390 = arith.constant 1 : index
      %get3A_391 = arith.constant 2 : index
      %get3A_392 = arith.constant 0 : index
      %get3A_393 = arith.constant 0 : index
      %get3A_394 = vector.load %arg1[%get3A_390, %get3A_391, %get3A_392, %get3A_393] : memref<2x3x8x256xf32, #tpu.memory_space<vmem>>, vector<1x1x8x256xf32>
      %get3A_395 = vector.shape_cast %get3A_394 : vector<1x1x8x256xf32> to vector<8x256xf32>
      %broadcast_in_dim3A_396 = vector.broadcast %reduce_max3A_357 : f32 to vector<8x256xf32>
      %select_n3A_397 = arith.select %eq3A_359, %broadcast_in_dim3A_396, %get3A_395 : vector<8x256xi1>, vector<8x256xf32>
      %swap3A_398 = arith.constant 1 : index
      %swap3A_399 = arith.constant 2 : index
      %swap3A_400 = arith.constant 0 : index
      %swap3A_401 = arith.constant 0 : index
      %swap3A_402 = vector.load %arg1[%swap3A_398, %swap3A_399, %swap3A_400, %swap3A_401] : memref<2x3x8x256xf32, #tpu.memory_space<vmem>>, vector<1x1x8x256xf32>
      %swap3A_403 = vector.shape_cast %swap3A_402 : vector<1x1x8x256xf32> to vector<8x256xf32>
      %swap3A_404 = vector.shape_cast %select_n3A_397 : vector<8x256xf32> to vector<1x1x8x256xf32>
      tpu.vector_store %arg1[%swap3A_398, %swap3A_399, %swap3A_400, %swap3A_401], %swap3A_404 {strides = array<i32>} : memref<2x3x8x256xf32, #tpu.memory_space<vmem>>, vector<1x1x8x256xf32>,
      scf.yield %reduce_max3A_241, %reduce_max3A_249, %reduce_max3A_257, %reduce_max3A_341, %reduce_max3A_349, %reduce_max3A_357, %min3A, %min3A_316 : f32, f32, f32, f32, f32, f32, vector<8x1024xf32>, vector<8x1024xf32>
    }
    %scan3A_197 = arith.constant 2047 : i32
    return
  }
}

module attributes {stable_mosaic.version = 14 : i64} {
  func.func @_knn_body(%arg0: i32, %arg1: i32, %arg2: memref<1x256x8xf32, #tpu.memory_space<vmem>>, %arg3: memref<1x8x8192xf32, #tpu.memory_space<vmem>>, %arg4: memref<1x256x16xi32, #tpu.memory_space<vmem>>) attributes {dimension_semantics = [#tpu.dimension_semantics<arbitrary>, #tpu.dimension_semantics<arbitrary>], iteration_bounds = array<i64: 2, 8>, scalar_prefetch = 0 : i64, scratch_operands = 0 : i64, tpu.core_type = #tpu.core_type<tc>, window_params = [{transform_indices = @transform_0, window_bounds = array<i64: 1, 256, 8>}, {transform_indices = @transform_1, window_bounds = array<i64: 1, 8, 8192>}, {transform_indices = @transform_2, window_bounds = array<i64: 1, 256, 16>}]} {
    %get3A = arith.constant 0 : index
    %get3A_0 = arith.constant 0 : index
    %get3A_1 = arith.constant 0 : index
    %get3A_2 = vector.load %arg2[%get3A, %get3A_0, %get3A_1] : memref<1x256x8xf32, #tpu.memory_space<vmem>>, vector<1x256x8xf32>
    %get3A_3 = vector.shape_cast %get3A_2 : vector<1x256x8xf32> to vector<256x8xf32>
    %slice3A = vector.extract_strided_slice %get3A_3 {offsets = [0, 0], sizes = [256, 1], strides = [1, 1]} : vector<256x8xf32> to vector<256x1xf32>
    %slice3A_4 = vector.extract_strided_slice %get3A_3 {offsets = [0, 1], sizes = [256, 1], strides = [1, 1]} : vector<256x8xf32> to vector<256x1xf32>
    %slice3A_5 = vector.extract_strided_slice %get3A_3 {offsets = [0, 2], sizes = [256, 1], strides = [1, 1]} : vector<256x8xf32> to vector<256x1xf32>
    %get3A_6 = arith.constant 0 : index
    %get3A_7 = arith.constant 0 : index
    %get3A_8 = arith.constant 0 : index
    %get3A_9 = vector.load %arg3[%get3A_6, %get3A_7, %get3A_8] : memref<1x8x8192xf32, #tpu.memory_space<vmem>>, vector<1x1x8192xf32>
    %get3A_10 = vector.shape_cast %get3A_9 : vector<1x1x8192xf32> to vector<1x8192xf32>
    %get3A_11 = arith.constant 0 : index
    %get3A_12 = arith.constant 1 : index
    %get3A_13 = arith.constant 0 : index
    %get3A_14 = vector.load %arg3[%get3A_11, %get3A_12, %get3A_13] : memref<1x8x8192xf32, #tpu.memory_space<vmem>>, vector<1x1x8192xf32>
    %get3A_15 = vector.shape_cast %get3A_14 : vector<1x1x8192xf32> to vector<1x8192xf32>
    %get3A_16 = arith.constant 0 : index
    %get3A_17 = arith.constant 2 : index
    %get3A_18 = arith.constant 0 : index
    %get3A_19 = vector.load %arg3[%get3A_16, %get3A_17, %get3A_18] : memref<1x8x8192xf32, #tpu.memory_space<vmem>>, vector<1x1x8192xf32>
    %get3A_20 = vector.shape_cast %get3A_19 : vector<1x1x8192xf32> to vector<1x8192xf32>
    %sub3A = vector.broadcast %slice3A : vector<256x1xf32> to vector<256x8192xf32>
    %sub3A_21 = vector.broadcast %get3A_10 : vector<1x8192xf32> to vector<256x8192xf32>
    %sub3A_22 = arith.subf %sub3A, %sub3A_21 : vector<256x8192xf32>
    %sub3A_23 = vector.broadcast %slice3A_4 : vector<256x1xf32> to vector<256x8192xf32>
    %sub3A_24 = vector.broadcast %get3A_15 : vector<1x8192xf32> to vector<256x8192xf32>
    %sub3A_25 = arith.subf %sub3A_23, %sub3A_24 : vector<256x8192xf32>
    %sub3A_26 = vector.broadcast %slice3A_5 : vector<256x1xf32> to vector<256x8192xf32>
    %sub3A_27 = vector.broadcast %get3A_20 : vector<1x8192xf32> to vector<256x8192xf32>
    %sub3A_28 = arith.subf %sub3A_26, %sub3A_27 : vector<256x8192xf32>
    %mul3A = arith.mulf %sub3A_22, %sub3A_22 : vector<256x8192xf32>
    %mul3A_29 = arith.mulf %sub3A_28, %sub3A_28 : vector<256x8192xf32>
    %add3A = arith.addf %mul3A, %mul3A_29 : vector<256x8192xf32>
    %mul3A_30 = arith.mulf %sub3A_25, %sub3A_25 : vector<256x8192xf32>
    %add3A_31 = arith.addf %add3A, %mul3A_30 : vector<256x8192xf32>
    %iota3A = tpu.iota {dimensions = array<i32: 1>} : vector<1x8192xi32>
    %convert_element_type3A = arith.sitofp %iota3A : vector<1x8192xi32> to vector<1x8192xf32>
    %iota3A_32 = tpu.iota {dimensions = array<i32: 1>} : vector<256x16xi32>
    %broadcast_in_dim3A = arith.constant 0.000000e+00 : f32
    %broadcast_in_dim3A_33 = vector.broadcast %broadcast_in_dim3A : f32 to vector<256x16xf32>
    %scan3A = arith.constant 0 : i32
    %scan3A_34 = arith.constant 16 : i32
    %scan3A_35 = arith.addi %scan3A, %scan3A_34 : i32
    %scan3A_36 = arith.constant 1 : i32
    %scan3A_37:2 = scf.for %scan3A_49 = %scan3A to %scan3A_35 step %scan3A_36 iter_args(%scan3A_50 = %add3A_31, %scan3A_51 = %broadcast_in_dim3A_33) -> (vector<256x8192xf32>, vector<256x16xf32>)  : i32 {
      %reduce_min3A = arith.constant dense<0x7F800000> : vector<256xf32>
      %reduce_min3A_52 = vector.multi_reduction <minimumf>, %scan3A_50, %reduce_min3A [1] : vector<256x8192xf32> to vector<256xf32>
      %broadcast_in_dim3A_53 = vector.shape_cast %reduce_min3A_52 : vector<256xf32> to vector<256x1xf32>
      %eq3A = vector.broadcast %broadcast_in_dim3A_53 : vector<256x1xf32> to vector<256x8192xf32>
      %eq3A_54 = arith.cmpf oeq, %scan3A_50, %eq3A : vector<256x8192xf32>
      %jit3A = arith.constant 1.000000e+30 : f32
      %broadcast_in_dim3A_55 = vector.shape_cast %convert_element_type3A : vector<1x8192xf32> to vector<1x8192xf32>
      %broadcast_in_dim3A_56 = vector.broadcast %broadcast_in_dim3A_55 : vector<1x8192xf32> to vector<256x8192xf32>
      %broadcast_in_dim3A_57 = vector.broadcast %jit3A : f32 to vector<256x8192xf32>
      %select_n3A = arith.select %eq3A_54, %broadcast_in_dim3A_56, %broadcast_in_dim3A_57 : vector<256x8192xi1>, vector<256x8192xf32>
      %reduce_min3A_58 = arith.constant dense<0x7F800000> : vector<256xf32>
      %reduce_min3A_59 = vector.multi_reduction <minimumf>, %select_n3A, %reduce_min3A_58 [1] : vector<256x8192xf32> to vector<256xf32>
      %broadcast_in_dim3A_60 = vector.shape_cast %reduce_min3A_59 : vector<256xf32> to vector<256x1xf32>
      %eq3A_61 = vector.broadcast %convert_element_type3A : vector<1x8192xf32> to vector<256x8192xf32>
      %eq3A_62 = vector.broadcast %broadcast_in_dim3A_60 : vector<256x1xf32> to vector<256x8192xf32>
      %eq3A_63 = arith.cmpf oeq, %eq3A_61, %eq3A_62 : vector<256x8192xf32>
      %jit3A_64 = arith.constant 1.000000e+30 : f32
      %broadcast_in_dim3A_65 = vector.broadcast %jit3A_64 : f32 to vector<256x8192xf32>
      %select_n3A_66 = arith.select %eq3A_63, %broadcast_in_dim3A_65, %scan3A_50 : vector<256x8192xi1>, vector<256x8192xf32>
      %eq3A_67 = vector.broadcast %scan3A_49 : i32 to vector<256x16xi32>
      %eq3A_68 = arith.cmpi eq, %iota3A_32, %eq3A_67 : vector<256x16xi32>
      %broadcast_in_dim3A_69 = vector.shape_cast %broadcast_in_dim3A_60 : vector<256x1xf32> to vector<256x1xf32>
      %broadcast_in_dim3A_70 = vector.broadcast %broadcast_in_dim3A_69 : vector<256x1xf32> to vector<256x16xf32>
      %select_n3A_71 = arith.select %eq3A_68, %broadcast_in_dim3A_70, %scan3A_51 : vector<256x16xi1>, vector<256x16xf32>
      scf.yield %select_n3A_66, %select_n3A_71 : vector<256x8192xf32>, vector<256x16xf32>
    }
    %scan3A_38 = arith.constant 16 : i32
    %convert_element_type3A_39 = arith.fptosi %scan3A_37#1 : vector<256x16xf32> to vector<256x16xi32>
    %mul3A_40 = arith.constant 8192 : i32
    %mul3A_41 = arith.muli %arg0, %mul3A_40 : i32
    %add3A_42 = vector.broadcast %mul3A_41 : i32 to vector<256x16xi32>
    %add3A_43 = arith.addi %convert_element_type3A_39, %add3A_42 : vector<256x16xi32>
    %swap3A = arith.constant 0 : index
    %swap3A_44 = arith.constant 0 : index
    %swap3A_45 = arith.constant 0 : index
    %swap3A_46 = vector.load %arg4[%swap3A, %swap3A_44, %swap3A_45] : memref<1x256x16xi32, #tpu.memory_space<vmem>>, vector<1x256x16xi32>
    %swap3A_47 = vector.shape_cast %swap3A_46 : vector<1x256x16xi32> to vector<256x16xi32>
    %swap3A_48 = vector.shape_cast %add3A_43 : vector<256x16xi32> to vector<1x256x16xi32>
    tpu.vector_store %arg4[%swap3A, %swap3A_44, %swap3A_45], %swap3A_48 {strides = array<i32>} : memref<1x256x16xi32, #tpu.memory_space<vmem>>, vector<1x256x16xi32>,
    return
  }
  func.func @transform_0(%arg0: i32, %arg1: i32) -> (i32, i32, i32) {
    %c0_i32 = arith.constant 0 : i32
    %c0_i32_0 = arith.constant 0 : i32
    return %arg0, %arg1, %c0_i32 : i32, i32, i32
  }
  func.func @transform_1(%arg0: i32, %arg1: i32) -> (i32, i32, i32) {
    %c0_i32 = arith.constant 0 : i32
    %c0_i32_0 = arith.constant 0 : i32
    %c0_i32_1 = arith.constant 0 : i32
    return %arg0, %c0_i32, %c0_i32_0 : i32, i32, i32
  }
  func.func @transform_2(%arg0: i32, %arg1: i32) -> (i32, i32, i32) {
    %c0_i32 = arith.constant 0 : i32
    %c0_i32_0 = arith.constant 0 : i32
    return %arg0, %arg1, %c0_i32 : i32, i32, i32
  }
}

module attributes {stable_mosaic.version = 14 : i64} {
  func.func @_stage1_body(%arg0: memref<16384x8xf32, #tpu.memory_space<vmem>>, %arg1: memref<8x32xf32, #tpu.memory_space<vmem>>, %arg2: memref<1x32xf32, #tpu.memory_space<vmem>>, %arg3: memref<1x32xf32, #tpu.memory_space<vmem>>, %arg4: memref<32x64xf32, #tpu.memory_space<vmem>>, %arg5: memref<16384x64xf32, #tpu.memory_space<vmem>>) attributes {dimension_semantics = [], scalar_prefetch = 0 : i64, scratch_operands = 0 : i64, tpu.core_type = #tpu.core_type<tc>} {
    %get3A = arith.constant 0 : index
    %get3A_0 = arith.constant 0 : index
    %get3A_1 = vector.load %arg0[%get3A, %get3A_0] : memref<16384x8xf32, #tpu.memory_space<vmem>>, vector<16384x8xf32>
    %get3A_2 = arith.constant 0 : index
    %get3A_3 = arith.constant 0 : index
    %get3A_4 = vector.load %arg1[%get3A_2, %get3A_3] : memref<8x32xf32, #tpu.memory_space<vmem>>, vector<8x32xf32>
    %convert_element_type3A = arith.truncf %get3A_1 : vector<16384x8xf32> to vector<16384x8xbf16>
    %convert_element_type3A_5 = arith.truncf %get3A_4 : vector<8x32xf32> to vector<8x32xbf16>
    %dot_general3A = arith.constant dense<0.000000e+00> : vector<16384x32xf32>
    %dot_general3A_6 = tpu.matmul %convert_element_type3A, %convert_element_type3A_5, %dot_general3A {dimension_numbers = #tpu.dot_dimension_numbers<[1], [0], [0], [1], [0, 0, 1, 1], [], []>, transpose_lhs_hint = false} : vector<16384x8xbf16>, vector<8x32xbf16>, vector<16384x32xf32> -> vector<16384x32xf32>
    %reduce_sum3A = arith.constant dense<0.000000e+00> : vector<32xf32>
    %reduce_sum3A_7 = vector.multi_reduction <add>, %dot_general3A_6, %reduce_sum3A [0] : vector<16384x32xf32> to vector<32xf32>
    %broadcast_in_dim3A = vector.shape_cast %reduce_sum3A_7 : vector<32xf32> to vector<1x32xf32>
    %mul3A = arith.constant 6.10351563E-5 : f32
    %mul3A_8 = vector.broadcast %mul3A : f32 to vector<1x32xf32>
    %mul3A_9 = arith.mulf %broadcast_in_dim3A, %mul3A_8 : vector<1x32xf32>
    %mul3A_10 = arith.mulf %dot_general3A_6, %dot_general3A_6 : vector<16384x32xf32>
    %reduce_sum3A_11 = arith.constant dense<0.000000e+00> : vector<32xf32>
    %reduce_sum3A_12 = vector.multi_reduction <add>, %mul3A_10, %reduce_sum3A_11 [0] : vector<16384x32xf32> to vector<32xf32>
    %broadcast_in_dim3A_13 = vector.shape_cast %reduce_sum3A_12 : vector<32xf32> to vector<1x32xf32>
    %mul3A_14 = arith.constant 6.10351563E-5 : f32
    %mul3A_15 = vector.broadcast %mul3A_14 : f32 to vector<1x32xf32>
    %mul3A_16 = arith.mulf %broadcast_in_dim3A_13, %mul3A_15 : vector<1x32xf32>
    %mul3A_17 = arith.mulf %mul3A_9, %mul3A_9 : vector<1x32xf32>
    %sub3A = arith.subf %mul3A_16, %mul3A_17 : vector<1x32xf32>
    %sub3A_18 = vector.broadcast %mul3A_9 : vector<1x32xf32> to vector<16384x32xf32>
    %sub3A_19 = arith.subf %dot_general3A_6, %sub3A_18 : vector<16384x32xf32>
    %add3A = arith.constant 9.99999974E-6 : f32
    %add3A_20 = vector.broadcast %add3A : f32 to vector<1x32xf32>
    %add3A_21 = arith.addf %sub3A, %add3A_20 : vector<1x32xf32>
    %sqrt3A = math.sqrt %add3A_21 : vector<1x32xf32>
    %div3A = vector.broadcast %sqrt3A : vector<1x32xf32> to vector<16384x32xf32>
    %div3A_22 = arith.divf %sub3A_19, %div3A : vector<16384x32xf32>
    %get3A_23 = arith.constant 0 : index
    %get3A_24 = arith.constant 0 : index
    %get3A_25 = vector.load %arg2[%get3A_23, %get3A_24] : memref<1x32xf32, #tpu.memory_space<vmem>>, vector<1x32xf32>
    %mul3A_26 = vector.broadcast %get3A_25 : vector<1x32xf32> to vector<16384x32xf32>
    %mul3A_27 = arith.mulf %div3A_22, %mul3A_26 : vector<16384x32xf32>
    %get3A_28 = arith.constant 0 : index
    %get3A_29 = arith.constant 0 : index
    %get3A_30 = vector.load %arg3[%get3A_28, %get3A_29] : memref<1x32xf32, #tpu.memory_space<vmem>>, vector<1x32xf32>
    %add3A_31 = vector.broadcast %get3A_30 : vector<1x32xf32> to vector<16384x32xf32>
    %add3A_32 = arith.addf %mul3A_27, %add3A_31 : vector<16384x32xf32>
    %max3A = arith.constant 0.000000e+00 : f32
    %max3A_33 = vector.broadcast %max3A : f32 to vector<16384x32xf32>
    %max3A_34 = arith.maximumf %add3A_32, %max3A_33 : vector<16384x32xf32>
    %get3A_35 = arith.constant 0 : index
    %get3A_36 = arith.constant 0 : index
    %get3A_37 = vector.load %arg4[%get3A_35, %get3A_36] : memref<32x64xf32, #tpu.memory_space<vmem>>, vector<32x64xf32>
    %convert_element_type3A_38 = arith.truncf %max3A_34 : vector<16384x32xf32> to vector<16384x32xbf16>
    %convert_element_type3A_39 = arith.truncf %get3A_37 : vector<32x64xf32> to vector<32x64xbf16>
    %dot_general3A_40 = arith.constant dense<0.000000e+00> : vector<16384x64xf32>
    %dot_general3A_41 = tpu.matmul %convert_element_type3A_38, %convert_element_type3A_39, %dot_general3A_40 {dimension_numbers = #tpu.dot_dimension_numbers<[1], [0], [0], [1], [0, 0, 1, 1], [], []>, transpose_lhs_hint = false} : vector<16384x32xbf16>, vector<32x64xbf16>, vector<16384x64xf32> -> vector<16384x64xf32>
    %swap3A = arith.constant 0 : index
    %swap3A_42 = arith.constant 0 : index
    %swap3A_43 = vector.load %arg5[%swap3A, %swap3A_42] : memref<16384x64xf32, #tpu.memory_space<vmem>>, vector<16384x64xf32>
    tpu.vector_store %arg5[%swap3A, %swap3A_42], %dot_general3A_41 {strides = array<i32>} : memref<16384x64xf32, #tpu.memory_space<vmem>>, vector<16384x64xf32>,
    return
  }
}

module attributes {stable_mosaic.version = 14 : i64} {
  func.func @_pool_body(%arg0: i32, %arg1: memref<512x16x128xf32, #tpu.memory_space<vmem>>, %arg2: memref<512x8xf32, #tpu.memory_space<vmem>>, %arg3: memref<8x64xf32, #tpu.memory_space<vmem>>, %arg4: memref<512x64xf32, #tpu.memory_space<vmem>>, %arg5: memref<512x64xf32, #tpu.memory_space<vmem>>, %arg6: memref<1x64xf32, #tpu.memory_space<vmem>>, %arg7: memref<1x64xf32, #tpu.memory_space<vmem>>) attributes {dimension_semantics = [#tpu.dimension_semantics<arbitrary>], iteration_bounds = array<i64: 8>, scalar_prefetch = 0 : i64, scratch_operands = 0 : i64, tpu.core_type = #tpu.core_type<tc>, window_params = [{transform_indices = @transform_0, window_bounds = array<i64: 512, 16, 128>}, {transform_indices = @transform_1, window_bounds = array<i64: 512, 8>}, {pipeline_mode = #tpu.pipeline_mode<synchronous>, transform_indices = @transform_2, window_bounds = array<i64: 8, 64>}, {transform_indices = @transform_3, window_bounds = array<i64: 512, 64>}, {transform_indices = @transform_4, window_bounds = array<i64: 512, 64>}, {pipeline_mode = #tpu.pipeline_mode<synchronous>, transform_indices = @transform_5, window_bounds = array<i64: 1, 64>}, {pipeline_mode = #tpu.pipeline_mode<synchronous>, transform_indices = @transform_6, window_bounds = array<i64: 1, 64>}]} {
    %get3A = arith.constant 0 : index
    %get3A_0 = arith.constant 0 : index
    %get3A_1 = arith.constant 0 : index
    %get3A_2 = vector.load %arg1[%get3A, %get3A_0, %get3A_1] : memref<512x16x128xf32, #tpu.memory_space<vmem>>, vector<512x16x128xf32>
    %slice3A = vector.extract_strided_slice %get3A_2 {offsets = [0, 0, 0], sizes = [512, 16, 64], strides = [1, 1, 1]} : vector<512x16x128xf32> to vector<512x16x64xf32>
    %slice3A_3 = vector.extract_strided_slice %get3A_2 {offsets = [0, 0, 64], sizes = [512, 16, 3], strides = [1, 1, 1]} : vector<512x16x128xf32> to vector<512x16x3xf32>
    %get3A_4 = arith.constant 0 : index
    %get3A_5 = arith.constant 0 : index
    %get3A_6 = vector.load %arg2[%get3A_4, %get3A_5] : memref<512x8xf32, #tpu.memory_space<vmem>>, vector<512x8xf32>
    %slice3A_7 = vector.extract_strided_slice %get3A_6 {offsets = [0, 0], sizes = [512, 3], strides = [1, 1]} : vector<512x8xf32> to vector<512x3xf32>
    %broadcast_in_dim3A = vector.shape_cast %slice3A_7 : vector<512x3xf32> to vector<512x1x3xf32>
    %sub3A = vector.broadcast %broadcast_in_dim3A : vector<512x1x3xf32> to vector<512x16x3xf32>
    %sub3A_8 = arith.subf %slice3A_3, %sub3A : vector<512x16x3xf32>
    %convert_element_type3A = arith.truncf %sub3A_8 : vector<512x16x3xf32> to vector<512x16x3xbf16>
    %convert_element_type3A_9 = arith.extf %convert_element_type3A : vector<512x16x3xbf16> to vector<512x16x3xf32>
    %get3A_10 = arith.constant 0 : index
    %get3A_11 = arith.constant 0 : index
    %get3A_12 = vector.load %arg3[%get3A_10, %get3A_11] : memref<8x64xf32, #tpu.memory_space<vmem>>, vector<8x64xf32>
    %convert_element_type3A_13 = arith.truncf %get3A_12 : vector<8x64xf32> to vector<8x64xbf16>
    %convert_element_type3A_14 = arith.extf %convert_element_type3A_13 : vector<8x64xbf16> to vector<8x64xf32>
    %slice3A_15 = vector.extract_strided_slice %convert_element_type3A_9 {offsets = [0, 0, 0], sizes = [512, 16, 1], strides = [1, 1, 1]} : vector<512x16x3xf32> to vector<512x16x1xf32>
    %slice3A_16 = vector.extract_strided_slice %convert_element_type3A_14 {offsets = [0, 0], sizes = [1, 64], strides = [1, 1]} : vector<8x64xf32> to vector<1x64xf32>
    %broadcast_in_dim3A_17 = vector.shape_cast %slice3A_16 : vector<1x64xf32> to vector<1x1x64xf32>
    %mul3A = vector.broadcast %slice3A_15 : vector<512x16x1xf32> to vector<512x16x64xf32>
    %mul3A_18 = vector.broadcast %broadcast_in_dim3A_17 : vector<1x1x64xf32> to vector<512x16x64xf32>
    %mul3A_19 = arith.mulf %mul3A, %mul3A_18 : vector<512x16x64xf32>
    %slice3A_20 = vector.extract_strided_slice %convert_element_type3A_9 {offsets = [0, 0, 1], sizes = [512, 16, 1], strides = [1, 1, 1]} : vector<512x16x3xf32> to vector<512x16x1xf32>
    %slice3A_21 = vector.extract_strided_slice %convert_element_type3A_14 {offsets = [1, 0], sizes = [1, 64], strides = [1, 1]} : vector<8x64xf32> to vector<1x64xf32>
    %broadcast_in_dim3A_22 = vector.shape_cast %slice3A_21 : vector<1x64xf32> to vector<1x1x64xf32>
    %mul3A_23 = vector.broadcast %slice3A_20 : vector<512x16x1xf32> to vector<512x16x64xf32>
    %mul3A_24 = vector.broadcast %broadcast_in_dim3A_22 : vector<1x1x64xf32> to vector<512x16x64xf32>
    %mul3A_25 = arith.mulf %mul3A_23, %mul3A_24 : vector<512x16x64xf32>
    %add3A = arith.addf %mul3A_19, %mul3A_25 : vector<512x16x64xf32>
    %slice3A_26 = vector.extract_strided_slice %convert_element_type3A_9 {offsets = [0, 0, 2], sizes = [512, 16, 1], strides = [1, 1, 1]} : vector<512x16x3xf32> to vector<512x16x1xf32>
    %slice3A_27 = vector.extract_strided_slice %convert_element_type3A_14 {offsets = [2, 0], sizes = [1, 64], strides = [1, 1]} : vector<8x64xf32> to vector<1x64xf32>
    %broadcast_in_dim3A_28 = vector.shape_cast %slice3A_27 : vector<1x64xf32> to vector<1x1x64xf32>
    %mul3A_29 = vector.broadcast %slice3A_26 : vector<512x16x1xf32> to vector<512x16x64xf32>
    %mul3A_30 = vector.broadcast %broadcast_in_dim3A_28 : vector<1x1x64xf32> to vector<512x16x64xf32>
    %mul3A_31 = arith.mulf %mul3A_29, %mul3A_30 : vector<512x16x64xf32>
    %add3A_32 = arith.addf %add3A, %mul3A_31 : vector<512x16x64xf32>
    %add3A_33 = arith.addf %slice3A, %add3A_32 : vector<512x16x64xf32>
    %reduce_max3A = arith.constant dense<0xFF800000> : vector<512x64xf32>
    %reduce_max3A_34 = vector.multi_reduction <maximumf>, %add3A_33, %reduce_max3A [1] : vector<512x16x64xf32> to vector<512x64xf32>
    %swap3A = arith.constant 0 : index
    %swap3A_35 = arith.constant 0 : index
    %swap3A_36 = vector.load %arg4[%swap3A, %swap3A_35] : memref<512x64xf32, #tpu.memory_space<vmem>>, vector<512x64xf32>
    tpu.vector_store %arg4[%swap3A, %swap3A_35], %reduce_max3A_34 {strides = array<i32>} : memref<512x64xf32, #tpu.memory_space<vmem>>, vector<512x64xf32>,
    %reduce_min3A = arith.constant dense<0x7F800000> : vector<512x64xf32>
    %reduce_min3A_37 = vector.multi_reduction <minimumf>, %add3A_33, %reduce_min3A [1] : vector<512x16x64xf32> to vector<512x64xf32>
    %swap3A_38 = arith.constant 0 : index
    %swap3A_39 = arith.constant 0 : index
    %swap3A_40 = vector.load %arg5[%swap3A_38, %swap3A_39] : memref<512x64xf32, #tpu.memory_space<vmem>>, vector<512x64xf32>
    tpu.vector_store %arg5[%swap3A_38, %swap3A_39], %reduce_min3A_37 {strides = array<i32>} : memref<512x64xf32, #tpu.memory_space<vmem>>, vector<512x64xf32>,
    %reduce_sum3A = arith.constant dense<0.000000e+00> : vector<512x64xf32>
    %reduce_sum3A_41 = vector.multi_reduction <add>, %add3A_33, %reduce_sum3A [1] : vector<512x16x64xf32> to vector<512x64xf32>
    %reduce_sum3A_42 = arith.constant dense<0.000000e+00> : vector<64xf32>
    %reduce_sum3A_43 = vector.multi_reduction <add>, %reduce_sum3A_41, %reduce_sum3A_42 [0] : vector<512x64xf32> to vector<64xf32>
    %broadcast_in_dim3A_44 = vector.shape_cast %reduce_sum3A_43 : vector<64xf32> to vector<1x64xf32>
    %mul3A_45 = arith.mulf %add3A_33, %add3A_33 : vector<512x16x64xf32>
    %reduce_sum3A_46 = arith.constant dense<0.000000e+00> : vector<512x64xf32>
    %reduce_sum3A_47 = vector.multi_reduction <add>, %mul3A_45, %reduce_sum3A_46 [1] : vector<512x16x64xf32> to vector<512x64xf32>
    %reduce_sum3A_48 = arith.constant dense<0.000000e+00> : vector<64xf32>
    %reduce_sum3A_49 = vector.multi_reduction <add>, %reduce_sum3A_47, %reduce_sum3A_48 [0] : vector<512x64xf32> to vector<64xf32>
    %broadcast_in_dim3A_50 = vector.shape_cast %reduce_sum3A_49 : vector<64xf32> to vector<1x64xf32>
    %eq3A = arith.constant 0 : i32
    %eq3A_51 = arith.cmpi eq, %arg0, %eq3A : i32
    %convert_element_type3A_52 = arith.extui %eq3A_51 : i1 to i32
    %cond3A = arith.constant 0 : i32
    %cond3A_53 = arith.cmpi ne, %convert_element_type3A_52, %cond3A : i32
    scf.if %cond3A_53 {
      %swap3A_58 = arith.constant 0 : index
      %swap3A_59 = arith.constant 0 : index
      %swap3A_60 = vector.load %arg6[%swap3A_58, %swap3A_59] : memref<1x64xf32, #tpu.memory_space<vmem>>, vector<1x64xf32>
      tpu.vector_store %arg6[%swap3A_58, %swap3A_59], %broadcast_in_dim3A_44 {strides = array<i32>} : memref<1x64xf32, #tpu.memory_space<vmem>>, vector<1x64xf32>,
      %swap3A_61 = arith.constant 0 : index
      %swap3A_62 = arith.constant 0 : index
      %swap3A_63 = vector.load %arg7[%swap3A_61, %swap3A_62] : memref<1x64xf32, #tpu.memory_space<vmem>>, vector<1x64xf32>
      tpu.vector_store %arg7[%swap3A_61, %swap3A_62], %broadcast_in_dim3A_50 {strides = array<i32>} : memref<1x64xf32, #tpu.memory_space<vmem>>, vector<1x64xf32>,
    } else {
    }
    %ne3A = arith.constant 0 : i32
    %ne3A_54 = arith.cmpi ne, %arg0, %ne3A : i32
    %convert_element_type3A_55 = arith.extui %ne3A_54 : i1 to i32
    %cond3A_56 = arith.constant 0 : i32
    %cond3A_57 = arith.cmpi ne, %convert_element_type3A_55, %cond3A_56 : i32
    scf.if %cond3A_57 {
      %get3A_58 = arith.constant 0 : index
      %get3A_59 = arith.constant 0 : index
      %get3A_60 = vector.load %arg6[%get3A_58, %get3A_59] : memref<1x64xf32, #tpu.memory_space<vmem>>, vector<1x64xf32>
      %add3A_61 = arith.addf %get3A_60, %broadcast_in_dim3A_44 : vector<1x64xf32>
      %swap3A_62 = arith.constant 0 : index
      %swap3A_63 = arith.constant 0 : index
      %swap3A_64 = vector.load %arg6[%swap3A_62, %swap3A_63] : memref<1x64xf32, #tpu.memory_space<vmem>>, vector<1x64xf32>
      tpu.vector_store %arg6[%swap3A_62, %swap3A_63], %add3A_61 {strides = array<i32>} : memref<1x64xf32, #tpu.memory_space<vmem>>, vector<1x64xf32>,
      %get3A_65 = arith.constant 0 : index
      %get3A_66 = arith.constant 0 : index
      %get3A_67 = vector.load %arg7[%get3A_65, %get3A_66] : memref<1x64xf32, #tpu.memory_space<vmem>>, vector<1x64xf32>
      %add3A_68 = arith.addf %get3A_67, %broadcast_in_dim3A_50 : vector<1x64xf32>
      %swap3A_69 = arith.constant 0 : index
      %swap3A_70 = arith.constant 0 : index
      %swap3A_71 = vector.load %arg7[%swap3A_69, %swap3A_70] : memref<1x64xf32, #tpu.memory_space<vmem>>, vector<1x64xf32>
      tpu.vector_store %arg7[%swap3A_69, %swap3A_70], %add3A_68 {strides = array<i32>} : memref<1x64xf32, #tpu.memory_space<vmem>>, vector<1x64xf32>,
    } else {
    }
    return
  }
  func.func @transform_0(%arg0: i32) -> (i32, i32, i32) {
    %c0_i32 = arith.constant 0 : i32
    %c0_i32_0 = arith.constant 0 : i32
    %c0_i32_1 = arith.constant 0 : i32
    return %arg0, %c0_i32, %c0_i32_0 : i32, i32, i32
  }
  func.func @transform_1(%arg0: i32) -> (i32, i32) {
    %c0_i32 = arith.constant 0 : i32
    %c0_i32_0 = arith.constant 0 : i32
    return %arg0, %c0_i32 : i32, i32
  }
  func.func @transform_2(%arg0: i32) -> (i32, i32) {
    %c0_i32 = arith.constant 0 : i32
    %c0_i32_0 = arith.constant 0 : i32
    %c0_i32_1 = arith.constant 0 : i32
    return %c0_i32, %c0_i32_0 : i32, i32
  }
  func.func @transform_3(%arg0: i32) -> (i32, i32) {
    %c0_i32 = arith.constant 0 : i32
    %c0_i32_0 = arith.constant 0 : i32
    return %arg0, %c0_i32 : i32, i32
  }
  func.func @transform_4(%arg0: i32) -> (i32, i32) {
    %c0_i32 = arith.constant 0 : i32
    %c0_i32_0 = arith.constant 0 : i32
    return %arg0, %c0_i32 : i32, i32
  }
  func.func @transform_5(%arg0: i32) -> (i32, i32) {
    %c0_i32 = arith.constant 0 : i32
    %c0_i32_0 = arith.constant 0 : i32
    %c0_i32_1 = arith.constant 0 : i32
    return %c0_i32, %c0_i32_0 : i32, i32
  }
  func.func @transform_6(%arg0: i32) -> (i32, i32) {
    %c0_i32 = arith.constant 0 : i32
    %c0_i32_0 = arith.constant 0 : i32
    %c0_i32_1 = arith.constant 0 : i32
    return %c0_i32, %c0_i32_0 : i32, i32
  }
}

module attributes {stable_mosaic.version = 14 : i64} {
  func.func @_fin_mid_body(%arg0: memref<4096x64xf32, #tpu.memory_space<vmem>>, %arg1: memref<4096x64xf32, #tpu.memory_space<vmem>>, %arg2: memref<1x64xf32, #tpu.memory_space<vmem>>, %arg3: memref<1x64xf32, #tpu.memory_space<vmem>>, %arg4: memref<1x64xf32, #tpu.memory_space<vmem>>, %arg5: memref<1x64xf32, #tpu.memory_space<vmem>>, %arg6: memref<64x128xf32, #tpu.memory_space<vmem>>, %arg7: memref<4096x128xf32, #tpu.memory_space<vmem>>) attributes {dimension_semantics = [], scalar_prefetch = 0 : i64, scratch_operands = 0 : i64, tpu.core_type = #tpu.core_type<tc>} {
    %get3A = arith.constant 0 : index
    %get3A_0 = arith.constant 0 : index
    %get3A_1 = vector.load %arg2[%get3A, %get3A_0] : memref<1x64xf32, #tpu.memory_space<vmem>>, vector<1x64xf32>
    %mul3A = arith.constant 1.52587891E-5 : f32
    %mul3A_2 = vector.broadcast %mul3A : f32 to vector<1x64xf32>
    %mul3A_3 = arith.mulf %get3A_1, %mul3A_2 : vector<1x64xf32>
    %get3A_4 = arith.constant 0 : index
    %get3A_5 = arith.constant 0 : index
    %get3A_6 = vector.load %arg3[%get3A_4, %get3A_5] : memref<1x64xf32, #tpu.memory_space<vmem>>, vector<1x64xf32>
    %mul3A_7 = arith.constant 1.52587891E-5 : f32
    %mul3A_8 = vector.broadcast %mul3A_7 : f32 to vector<1x64xf32>
    %mul3A_9 = arith.mulf %get3A_6, %mul3A_8 : vector<1x64xf32>
    %mul3A_10 = arith.mulf %mul3A_3, %mul3A_3 : vector<1x64xf32>
    %sub3A = arith.subf %mul3A_9, %mul3A_10 : vector<1x64xf32>
    %add3A = arith.constant 9.99999974E-6 : f32
    %add3A_11 = vector.broadcast %add3A : f32 to vector<1x64xf32>
    %add3A_12 = arith.addf %sub3A, %add3A_11 : vector<1x64xf32>
    %sqrt3A = math.sqrt %add3A_12 : vector<1x64xf32>
    %div3A = arith.constant 1.000000e+00 : f32
    %div3A_13 = vector.broadcast %div3A : f32 to vector<1x64xf32>
    %div3A_14 = arith.divf %div3A_13, %sqrt3A : vector<1x64xf32>
    %get3A_15 = arith.constant 0 : index
    %get3A_16 = arith.constant 0 : index
    %get3A_17 = vector.load %arg4[%get3A_15, %get3A_16] : memref<1x64xf32, #tpu.memory_space<vmem>>, vector<1x64xf32>
    %ge3A = arith.constant 0.000000e+00 : f32
    %ge3A_18 = vector.broadcast %ge3A : f32 to vector<1x64xf32>
    %ge3A_19 = arith.cmpf oge, %get3A_17, %ge3A_18 : vector<1x64xf32>
    %get3A_20 = arith.constant 0 : index
    %get3A_21 = arith.constant 0 : index
    %get3A_22 = vector.load %arg0[%get3A_20, %get3A_21] : memref<4096x64xf32, #tpu.memory_space<vmem>>, vector<4096x64xf32>
    %get3A_23 = arith.constant 0 : index
    %get3A_24 = arith.constant 0 : index
    %get3A_25 = vector.load %arg1[%get3A_23, %get3A_24] : memref<4096x64xf32, #tpu.memory_space<vmem>>, vector<4096x64xf32>
    %broadcast_in_dim3A = vector.shape_cast %ge3A_19 : vector<1x64xi1> to vector<1x64xi1>
    %broadcast_in_dim3A_26 = vector.broadcast %broadcast_in_dim3A : vector<1x64xi1> to vector<4096x64xi1>
    %select_n3A = arith.select %broadcast_in_dim3A_26, %get3A_22, %get3A_25 : vector<4096x64xi1>, vector<4096x64xf32>
    %sub3A_27 = vector.broadcast %mul3A_3 : vector<1x64xf32> to vector<4096x64xf32>
    %sub3A_28 = arith.subf %select_n3A, %sub3A_27 : vector<4096x64xf32>
    %mul3A_29 = vector.broadcast %div3A_14 : vector<1x64xf32> to vector<4096x64xf32>
    %mul3A_30 = arith.mulf %sub3A_28, %mul3A_29 : vector<4096x64xf32>
    %mul3A_31 = vector.broadcast %get3A_17 : vector<1x64xf32> to vector<4096x64xf32>
    %mul3A_32 = arith.mulf %mul3A_30, %mul3A_31 : vector<4096x64xf32>
    %get3A_33 = arith.constant 0 : index
    %get3A_34 = arith.constant 0 : index
    %get3A_35 = vector.load %arg5[%get3A_33, %get3A_34] : memref<1x64xf32, #tpu.memory_space<vmem>>, vector<1x64xf32>
    %add3A_36 = vector.broadcast %get3A_35 : vector<1x64xf32> to vector<4096x64xf32>
    %add3A_37 = arith.addf %mul3A_32, %add3A_36 : vector<4096x64xf32>
    %max3A = arith.constant 0.000000e+00 : f32
    %max3A_38 = vector.broadcast %max3A : f32 to vector<4096x64xf32>
    %max3A_39 = arith.maximumf %add3A_37, %max3A_38 : vector<4096x64xf32>
    %get3A_40 = arith.constant 0 : index
    %get3A_41 = arith.constant 0 : index
    %get3A_42 = vector.load %arg6[%get3A_40, %get3A_41] : memref<64x128xf32, #tpu.memory_space<vmem>>, vector<64x128xf32>
    %convert_element_type3A = arith.truncf %max3A_39 : vector<4096x64xf32> to vector<4096x64xbf16>
    %convert_element_type3A_43 = arith.truncf %get3A_42 : vector<64x128xf32> to vector<64x128xbf16>
    %dot_general3A = arith.constant dense<0.000000e+00> : vector<4096x128xf32>
    %dot_general3A_44 = tpu.matmul %convert_element_type3A, %convert_element_type3A_43, %dot_general3A {dimension_numbers = #tpu.dot_dimension_numbers<[1], [0], [0], [1], [0, 0, 1, 1], [], []>, transpose_lhs_hint = false} : vector<4096x64xbf16>, vector<64x128xbf16>, vector<4096x128xf32> -> vector<4096x128xf32>
    %swap3A = arith.constant 0 : index
    %swap3A_45 = arith.constant 0 : index
    %swap3A_46 = vector.load %arg7[%swap3A, %swap3A_45] : memref<4096x128xf32, #tpu.memory_space<vmem>>, vector<4096x128xf32>
    tpu.vector_store %arg7[%swap3A, %swap3A_45], %dot_general3A_44 {strides = array<i32>} : memref<4096x128xf32, #tpu.memory_space<vmem>>, vector<4096x128xf32>,
    return
  }
}

</mosaic_0001>

<sc_bundles>
// kernel: kernel.8.cloned.1.call-start
scs
__scs_entry_jumppad:
0x0: {  	(pc) =	sbr.rel $0x88, $3  }
0x1: {  	(tag) =	ssettag $0x0;
	lr =	simm.s32 $0x1  }
0x2: {  	[smem:$0x3F98] =	sst lr;
	_ =	strace $0xD0000000  }
0x3: {  	_ = 	snop  }
0x4: {  	_ = 	snop  }
0x5: {  	_ = 	snop  }
0x6: {  	_ = 	snop  }
0x7: {  	_ = 	snop  }
__scs_overlays_trampoline_lowered:
0x8: {  	[smem:$0x3FA7] =	sst s0  }
0x9: {  	[smem:$0x3FA8] =	sst s1  }
0xa: {  	[smem:$0x3FA9] =	sst s2  }
0xb: {  	[smem:$0x3FAA] =	sst s3  }
0xc: {  	[smem:$0x3FAB] =	sst s4  }
0xd: {  	[smem:$0x3FAC] =	sst s5  }
0xe: {  	[smem:$0x3FAD] =	sst s6  }
0xf: {  	[smem:$0x3FAE] =	sst s7  }
0x10: {  	[smem:$0x3FAF] =	sst s8  }
0x11: {  	[smem:$0x3FB0] =	sst s9;
	s0 =	simm.s32 @!p0 $0x0  }
0x12: {  	s1 =	sld [smem:$0x3F96];
	s0 =	simm.s32 @p0 $0x1  }
0x13: {  	[smem:$0x3FB1] =	sst s0;
	s0 =	simm.s32 @!p1 $0x0  }
0x14: {  	s2 =	sld [smem:$0x3F95];
	s0 =	simm.s32 @p1 $0x1  }
0x15: {  	[smem:$0x3FB2] =	sst s0;
	s0 =	simm.s32 @!p2 $0x0  }
0x16: {  	s3 =	sld [smem:$0x3FDB];
	s0 =	simm.s32 @p2 $0x1  }
0x17: {  	s4 =	simm.s32 $0x1BF5;
	[smem:$0x3FB4] =	sst s0  }
0x18: {  	s0 =	sld [smem:$0x3F97];
	_ =	swait.ge [sflag:s4], $0x0  }
0x19: {  	s7 =	sld [smem:$0x3F98]  }
0x1a: {  	s8 =	sadd.s32 $0xFFFFE003, lr  }
0x1b: {  	s9 =	sadd.s32 $0xFFFFFEF7, lr;
	s5 =	simm.s32 $0xFFFFFFFF;
	p2 =	slt.u32 s8, $0xFFFFF086  }
0x1c: {  	p1 =	slt.u32 s9, $0xF7A;
	s5 =	simm.s32 @!p2 $0x0  }
0x1d: {  	s5 =	simm.s32 @p1 $0x1;
	p0 =	seq.s32 s7, s2  }
0x1e: {  	s7 =	smul.u32 @!p0 $0xF7A, s2;
	p2 =	seq.s32 @!p0 s5, $0x0  }
0x1f: {  	s9 =	smul.u32 $0xF7A, s1;
	s8 =	simm.s32 @!p0 $0x1BF5;
	p2 =	por !p2, p0  }
0x20: {  	[sflag:s8] =	ssyncset.s32 @!p0 $0xFFFFF086;
	s6 =	sadd.s32 @!p0 s3, s7;
	s7 =	simm.s32 @!p0 $0x108  }
0x21: {  	s3 =	sadd.s32 s3, s9;
	s6 =	sadd.s32 @!p0 $0x88, s6;
	s7 =	simm.s32 @p2 $0x1082  }
0x22: {  	[simem:s7], [sflag:s8] =	dma.local @!p0 [hbm:s6], $0xF7A  }
0x23: {  	s9 =	sor.u32 $0xD0000000, s2;
	s6 =	simm.s32 $0x108;
	_ =	swait.ge @!p0 [sflag:s8], $0x0  }
0x24: {  	s3 =	sadd.s32 $0x88, s3;
	s6 =	simm.s32 @!p1 $0x1082;
	[sflag:s4] =	ssyncset.s32 $0xFFFFF086  }
0x25: {  	[simem:s6], [sflag:s4] =	dma.local [hbm:s3], $0xF7A  }
0x26: {  	[smem:$0x3F98] =	sst s1;
	(tag) =	ssettag s2;
	_ =	strace s9  }
0x27: {  	s1 =	sld [smem:$0x3FA8]  }
0x28: {  	s2 =	sld [smem:$0x3FA9]  }
0x29: {  	s4 =	sld [smem:$0x3FAB]  }
0x2a: {  	p0 =	seq.s32 s5, $0x0;
	s5 =	sld [smem:$0x3FAC]  }
0x2b: {  	s6 =	sld [smem:$0x3FAD]  }
0x2c: {  	s7 =	sld [smem:$0x3FAE]  }
0x2d: {  	s3 =	simm.s32 $0x108;
	s8 =	sld [smem:$0x3FAF]  }
0x2e: {  	s3 =	simm.s32 @!p0 $0x1082;
	s9 =	sld [smem:$0x3FB0]  }
0x2f: {  	lr =	sadd.s32 s0, s3;
	s0 =	sld [smem:$0x3FA7]  }
0x30: {  	s3 =	sld [smem:$0x3FAA]  }
0x31: {  	[smem:$0x3FB3] =	sst s10  }
0x32: {  	s10 =	sld [smem:$0x3FB1];
	_ =	sdelay $0x3  }
0x33: {  	p0 =	seq.s32 s10, $0x1;
	s10 =	sld [smem:$0x3FB3];
	_ =	sdelay $0x3  }
0x34: {  	[smem:$0x3FB3] =	sst s10  }
0x35: {  	s10 =	sld [smem:$0x3FB2];
	_ =	sdelay $0x3  }
0x36: {  	p1 =	seq.s32 s10, $0x1;
	s10 =	sld [smem:$0x3FB3];
	_ =	sdelay $0x3  }
0x37: {  	[smem:$0x3FB3] =	sst s10  }
0x38: {  	s10 =	sld [smem:$0x3FB4]  }
0x39: {  	_ = 	snop;
	(pc) =	sbr.ind lr, $3  }
0x3a: {  	_ = 	snop  }
0x3b: {  	_ = 	snop  }
0x3c: {  	p2 =	seq.s32 s10, $0x1;
	s10 =	sld [smem:$0x3FB3]  }
0x3d: {  	_ =	shalt  }
0x3e: {  	_ =	shalt  }
0x3f: {  	_ =	shalt  }
0x40: {  	_ =	shalt  }
0x41: {  	_ =	shalt  }
0x42: {  	_ =	shalt  }
0x43: {  	_ =	shalt  }
0x44: {  	_ =	shalt  }
0x45: {  	_ =	shalt  }
0x46: {  	_ =	shalt  }
0x47: {  	_ =	shalt  }
0x48: {  	_ =	shalt  }
0x49: {  	_ =	shalt  }
0x4a: {  	_ =	shalt  }
0x4b: {  	_ =	shalt  }
0x4c: {  	_ =	shalt  }
0x4d: {  	_ =	shalt  }
0x4e: {  	_ =	shalt  }
0x4f: {  	_ =	shalt  }
0x50: {  	_ =	shalt  }
0x51: {  	_ =	shalt  }
0x52: {  	_ =	shalt  }
0x53: {  	_ =	shalt  }
0x54: {  	_ =	shalt  }
0x55: {  	_ =	shalt  }
0x56: {  	_ =	shalt  }
0x57: {  	_ =	shalt  }
0x58: {  	_ =	shalt  }
0x59: {  	_ =	shalt  }
0x5a: {  	_ =	shalt  }
0x5b: {  	_ =	shalt  }
0x5c: {  	_ =	shalt  }
0x5d: {  	_ =	shalt  }
0x5e: {  	_ =	shalt  }
0x5f: {  	_ =	shalt  }
0x60: {  	_ =	shalt  }
0x61: {  	_ =	shalt  }
0x62: {  	_ =	shalt  }
0x63: {  	_ =	shalt  }
0x64: {  	_ =	shalt  }
0x65: {  	_ =	shalt  }
0x66: {  	_ =	shalt  }
0x67: {  	_ =	shalt  }
0x68: {  	_ =	shalt  }
0x69: {  	_ =	shalt  }
0x6a: {  	_ =	shalt  }
0x6b: {  	_ =	shalt  }
0x6c: {  	_ =	shalt  }
0x6d: {  	_ =	shalt  }
0x6e: {  	_ =	shalt  }
0x6f: {  	_ =	shalt  }
0x70: {  	_ =	shalt  }
0x71: {  	_ =	shalt  }
0x72: {  	_ =	shalt  }
0x73: {  	_ =	shalt  }
0x74: {  	_ =	shalt  }
0x75: {  	_ =	shalt  }
0x76: {  	_ =	shalt  }
0x77: {  	_ =	shalt  }
0x78: {  	_ =	shalt  }
0x79: {  	_ =	shalt  }
0x7a: {  	_ =	shalt  }
0x7b: {  	_ =	shalt  }
0x7c: {  	_ =	shalt  }
0x7d: {  	_ =	shalt  }
0x7e: {  	_ =	shalt  }
0x7f: {  	_ =	shalt  }
0x80: {  	_ =	shalt  }
0x81: {  	_ =	shalt  }
0x82: {  	_ =	shalt  }
0x83: {  	_ =	shalt  }
0x84: {  	_ =	shalt  }
0x85: {  	_ =	shalt  }
0x86: {  	_ =	shalt  }
0x87: {  	_ =	shalt  }
.Lfunc_end0:
.L_simem_size_0:
called_computation_lowered:
.L_overlay_start_0:
0x88: {  	s2 =	sld [smem:$0x3FD9]  }
0x89: {  	s3 =	sld [smem:$0x3FFE];
	_ =	sdelay $0x1  }
0x8a: {  	s1 =	srdreg.scid  }
0x8b: {  	s0 =	sand.u32 $0x1, s1  }
0x8c: {  	s17 =	sshll.u32 s0, $0xA;
	s2 =	sadd.s32 s3, s2  }
0x8d: {  	s2 =	sadd.s32 s2, s17  }
0x8e: {  	[smem:$0x3FBF] =	sst s2  }
0x8f: {  	_ = 	snop  }
0x90: {  	s2 =	sld [smem:$0x3FD0];
	(tm) =	ssettm $0x1  }
0x91: {  	s18 =	sld [smem:$0x3FFB];
	_ =	sdelay $0x3  }
0x92: {  	_ =	strace s18  }
0x93: {  	s3 =	sld [smem:$0x3FFC];
	_ =	sdelay $0x3  }
0x94: {  	_ =	strace s3  }
0x95: {  	s3 =	sld [smem:$0x3FFD];
	_ =	sdelay $0x3  }
0x96: {  	_ =	strace s3  }
0x97: {  	_ =	strace $0x8FFFFFFF  }
0x98: {  	s19 =	sld [smem:$0x3FDB];
	_ =	sdelay $0x1  }
0x99: {  	s4 =	simm.s32 $_scs_section_size  }
0x9a: {  	s5 =	simm.s32 $_size__tile_overlayer_lowered;
	s6 =	simm.s32 $_tile_overlayer_lowered  }
0x9b: {  	s22 =	simm.s32 $0x1BFF;
	s21 =	sshll.u32 s6, $0x1;
	s3 =	sadd.s32 s4, s19  }
0x9c: {  	s7 =	simm.s32 $0x0;
	s20 =	sshll.u32 s5, $0x1;
	s5 =	sadd.s32 s21, s3  }
0x9d: {  	[timem:s7], [sflag:s22] =	dma.local [hbm:s5], s20  }
0x9e: {  	_ =	swait.ge [sflag:s22], s20  }
0x9f: {  	s4 =	ssub.s32 $0x0, s20;
	[sflag:s22] =	ssyncset.done $0x0  }
0xa0: {  	[sflag:s22] =	ssyncadd.s32 s4;
	_ =	sdelay $0x1  }
0xa1: {  	s23 =	simm.s32 $0x1B8B  }
0xa2: {  	_ =	swait.ge [sflag:s23], $0x1  }
0xa3: {  	[sflag:s23] =	ssyncset.done $0x0  }
0xa4: {  	s25 =	simm.s32 $0x1B8E;
	s24 =	sld [smem:$0x3FFE];
	[sflag:s23] =	ssyncadd.s32 $0xFFFFFFFF  }
0xa5: {  	s26 =	simm.s32 $execute0_lowered;
	[smem:$0x3FD2] =	sst s25  }
0xa6: {  	s5 =	sshll.u32 s26, $0x1;
	_ =	strace $0x80000046;
	[dreg:$0x1] =	wrdreg $0xFFFFFFFF  }
0xa7: {  	s28 =	simm.s32 $_size_execute0_lowered;
	s3 =	sadd.s32 s3, s5;
	[dreg:$0x0] =	wrdreg $0x0  }
0xa8: {  	s5 =	sshll.u32 s28, $0x1;
	[dreg:$0x2] =	wrdreg s3  }
0xa9: {  	[dreg:$0x3] =	wrdreg s5  }
0xaa: {  	[dreg:$0x4] =	wrdreg $0xC0  }
0xab: {  	_ =	task [dreg:s7], $0x5FFFF  }
0xac: {  	[dreg:$0x1] =	wrdreg $0xFFFFFFFF  }
0xad: {  	[dreg:$0x0] =	wrdreg $0x60  }
0xae: {  	[dreg:$0x2] =	wrdreg s24  }
0xaf: {  	[dreg:$0x3] =	wrdreg s2  }
0xb0: {  	[dreg:$0x4] =	wrdreg $0x9  }
0xb1: {  	_ =	task.clear_ibuf [dreg:s7], $0x5FFFF;
	_ =	strace $0x90000046  }
0xb2: {  	s29 =	simm.s32 $0x9;
	_ =	strace $0x80000048  }
0xb3: {  	_ =	swait.ge [sflag:s29], $0x1  }
0xb4: {  	[sflag:s29] =	ssyncadd.s32 $0xFFFFFFFF  }
0xb5: {  	_ =	strace $0x90000048  }
0xb6: {  	_ =	sfence  }
0xb7: {  	s30 =	sld [smem:$0x0];
	_ =	sdelay $0x2  }
0xb8: {  	s31 =	sshll.u32 s1, $0xD;
	s1 =	sshrl.u32 s1, $0x2  }
0xb9: {  	s3 =	sand.u32 $0x4000, s31;
	s1 =	sadd.s32 s1, s30  }
0xba: {  	s0 =	sor.u32 s3, s0;
	s1 =	sshll.u32 s1, $0x11  }
0xbb: {  	s0 =	sor.u32 s1, s0  }
0xbc: {  	s0 =	sadd.s32 $0x8F2B, s0  }
0xbd: {  	[sflag:s0] =	ssyncadd.remote.s32 $0x1  }
0xbe: {  	_ =	sfence.sel $0xFFFF  }
0xbf: {  	[dreg:$0x0] =	wrdreg $0xFFFFFFFF;
	(pc) =	sbr.abs _section_cstart, $3  }
0xc0: {  	[dreg:$0x1] =	wrdreg $0xFFFFFFFF  }
0xc1: {  	_ =	task.clear_ibuf [dreg:s7], $0x2FFFF;
	_ =	strace $0x9FFFFFFF  }
0xc2: {  	(tm) =	ssettm $0x7FFFFFFF  }
0xc3: {  	_ =	shalt  }
tec
execute0_lowered:
.L_overlay_start_1:
0x0: {  	(tag) =	ssettag $0x1  }
0x1: {  	s4 =	rddreg [dreg:$0x0]  }
0x2: {  	s30 =	rddreg [dreg:$0x1];
	s0 =	srdreg.scid;
	s2 =	simm.s32 $0x0  }
0x3: {  	s1 =	stileid.u32;
	s3 =	sand.u32 $0x1, s0;
	[smem:$0x7FF] =	sst s2  }
0x4: {  	s5 =	sshll.u32 s1, $0xC;
	[dreg:$0xb] =	wrdreg s3;
	s6 =	sshll.u32 s3, $0xB  }
0x5: {  	s0 =	sadd.s32 $0x41A00, s4;
	s1 =	sor.u32 s6, s5;
	_ =	strace $0x80000047  }
0x6: {  	[dreg:$0xc] =	wrdreg s0;
	s7 =	sshrl.u32 s1, $0x3;
	s5 =	sshll.u32 s1, $0x4  }
0x7: {  	s9 =	sor.u32 $0x80, s1;
	s6 =	sor.u32 $0x100, s1;
	s3 =	sadd.s32 s30, s7  }
0x8: {  	s8 =	sadd.s32 s0, s5;
	s10 =	sshrl.u32 s9, $0x3;
	[dreg:$0x3] =	wrdreg s3  }
0x9: {  	s5 =	sshll.u32 s9, $0x4;
	[dreg:$0x4] =	wrdreg s8;
	s3 =	sadd.s32 s30, s10  }
0xa: {  	s12 =	sshrl.u32 s6, $0x3;
	s11 =	sadd.s32 s0, s5;
	[dreg:$0x5] =	wrdreg s3  }
0xb: {  	s14 =	sshll.u32 s6, $0x4;
	s13 =	sadd.s32 s30, s12;
	[dreg:$0x6] =	wrdreg s11  }
0xc: {  	s16 =	sor.u32 $0x180, s1;
	s15 =	sadd.s32 s0, s14;
	[dreg:$0x7] =	wrdreg s13  }
0xd: {  	s17 =	sshrl.u32 s16, $0x3;
	[dreg:$0x8] =	wrdreg s15  }
0xe: {  	s5 =	sshll.u32 s16, $0x4;
	s3 =	sadd.s32 s30, s17;
	s18 =	rddreg [dreg:$0x3]  }
0xf: {  	s19 =	sadd.s32 s0, s5;
	[dreg:$0x9] =	wrdreg s3  }
0x10: {  	[dreg:$0xa] =	wrdreg s19;
	s3 =	simm.s32 $0x2  }
0x11: {  	[tilespmem:s2], [sflag:$0x2] =	stream.linear.gather [hbm4b:s18+s2], $0x80, $0x38;
	[tilespmem:$0x4080] =	vst v63  }
0x12: {  	_ =	swait.ge [sflag:s3], $0x80  }
0x13: {  	s4 =	sadd.s32 $0x1A00, s4;
	[sflag:s3] =	ssyncset.done $0x0  }
0x14: {  	s6 =	simm.s32 $0x1;
	s5 =	simm.s32 $0x80;
	[sflag:s3] =	ssyncadd.s32 $0xFFFFFF80  }
0x15: {  	[tilespmem:s5], [sflag:$0x1] =	stream.indirect.gather [hbm4b:s4+s5], $0x80, s2, s5, $0xb8;
	[tilespmem:$0x4080] =	vst v63  }
0x16: {  	_ =	swait.ge [sflag:s6], $0x4000  }
0x17: {  	[sflag:s6] =	ssyncset.done $0x0  }
0x18: {  	s7 =	rddreg [dreg:$0x4];
	[sflag:s6] =	ssyncadd.s32 $0xFFFFC000  }
0x19: {  	[hbm4b:s7+s2] =	stream.linear.scatter [tilespmem:s5], [sflag:$0x2], $0x4000, $0x38;
	[tilespmem:$0x4080] =	vst v63  }
0x1a: {  	_ =	swait.ge [sflag:s3], $0x4000  }
0x1b: {  	[sflag:s3] =	ssyncset.done $0x0  }
0x1c: {  	s20 =	rddreg [dreg:$0x5];
	[sflag:s3] =	ssyncadd.s32 $0xFFFFC000  }
0x1d: {  	[tilespmem:s2], [sflag:$0x2] =	stream.linear.gather [hbm4b:s20+s2], $0x80, $0x38;
	[tilespmem:$0x4080] =	vst v63  }
0x1e: {  	_ =	swait.ge [sflag:s3], $0x80  }
0x1f: {  	[sflag:s3] =	ssyncset.done $0x0  }
0x20: {  	[sflag:s3] =	ssyncadd.s32 $0xFFFFFF80  }
0x21: {  	[tilespmem:s5], [sflag:$0x1] =	stream.indirect.gather [hbm4b:s4+s5], $0x80, s2, s5, $0xb8;
	[tilespmem:$0x4080] =	vst v63  }
0x22: {  	_ =	swait.ge [sflag:s6], $0x4000  }
0x23: {  	[sflag:s6] =	ssyncset.done $0x0  }
0x24: {  	s21 =	rddreg [dreg:$0x6];
	[sflag:s6] =	ssyncadd.s32 $0xFFFFC000  }
0x25: {  	[hbm4b:s21+s2] =	stream.linear.scatter [tilespmem:s5], [sflag:$0x2], $0x4000, $0x38;
	[tilespmem:$0x4080] =	vst v63  }
0x26: {  	_ =	swait.ge [sflag:s3], $0x4000  }
0x27: {  	[sflag:s3] =	ssyncset.done $0x0  }
0x28: {  	s22 =	rddreg [dreg:$0x7];
	[sflag:s3] =	ssyncadd.s32 $0xFFFFC000  }
0x29: {  	[tilespmem:s2], [sflag:$0x2] =	stream.linear.gather [hbm4b:s22+s2], $0x80, $0x38;
	[tilespmem:$0x4080] =	vst v63  }
0x2a: {  	_ =	swait.ge [sflag:s3], $0x80  }
0x2b: {  	[sflag:s3] =	ssyncset.done $0x0  }
0x2c: {  	[sflag:s3] =	ssyncadd.s32 $0xFFFFFF80  }
0x2d: {  	[tilespmem:s5], [sflag:$0x1] =	stream.indirect.gather [hbm4b:s4+s5], $0x80, s2, s5, $0xb8;
	[tilespmem:$0x4080] =	vst v63  }
0x2e: {  	_ =	swait.ge [sflag:s6], $0x4000  }
0x2f: {  	[sflag:s6] =	ssyncset.done $0x0  }
0x30: {  	s23 =	rddreg [dreg:$0x8];
	[sflag:s6] =	ssyncadd.s32 $0xFFFFC000  }
0x31: {  	[hbm4b:s23+s2] =	stream.linear.scatter [tilespmem:s5], [sflag:$0x2], $0x4000, $0x38;
	[tilespmem:$0x4080] =	vst v63  }
0x32: {  	_ =	swait.ge [sflag:s3], $0x4000  }
0x33: {  	[sflag:s3] =	ssyncset.done $0x0  }
0x34: {  	s24 =	rddreg [dreg:$0x9];
	[sflag:s3] =	ssyncadd.s32 $0xFFFFC000  }
0x35: {  	[tilespmem:s2], [sflag:$0x2] =	stream.linear.gather [hbm4b:s24+s2], $0x80, $0x38;
	[tilespmem:$0x4080] =	vst v63  }
0x36: {  	_ =	swait.ge [sflag:s3], $0x80  }
0x37: {  	[sflag:s3] =	ssyncset.done $0x0  }
0x38: {  	[sflag:s3] =	ssyncadd.s32 $0xFFFFFF80  }
0x39: {  	[tilespmem:s5], [sflag:$0x1] =	stream.indirect.gather [hbm4b:s4+s5], $0x80, s2, s5, $0xb8;
	[tilespmem:$0x4080] =	vst v63  }
0x3a: {  	_ =	swait.ge [sflag:s6], $0x4000  }
0x3b: {  	[sflag:s6] =	ssyncset.done $0x0  }
0x3c: {  	s25 =	rddreg [dreg:$0xa];
	[sflag:s6] =	ssyncadd.s32 $0xFFFFC000  }
0x3d: {  	[hbm4b:s25+s2] =	stream.linear.scatter [tilespmem:s5], [sflag:$0x2], $0x4000, $0x38;
	[tilespmem:$0x4080] =	vst v63  }
0x3e: {  	s8 =	sor.u32 $0x200, s1;
	_ =	swait.ge [sflag:s3], $0x4000  }
0x3f: {  	s26 =	sshrl.u32 s8, $0x3;
	[sflag:s3] =	ssyncset.done $0x0  }
0x40: {  	s7 =	sadd.s32 s30, s26;
	[sflag:s3] =	ssyncadd.s32 $0xFFFFC000  }
0x41: {  	[tilespmem:s2], [sflag:$0x2] =	stream.linear.gather [hbm4b:s7+s2], $0x80, $0x38;
	[tilespmem:$0x4080] =	vst v63  }
0x42: {  	_ =	swait.ge [sflag:s3], $0x80  }
0x43: {  	[sflag:s3] =	ssyncset.done $0x0  }
0x44: {  	[sflag:s3] =	ssyncadd.s32 $0xFFFFFF80  }
0x45: {  	[tilespmem:s5], [sflag:$0x1] =	stream.indirect.gather [hbm4b:s4+s5], $0x80, s2, s5, $0xb8;
	[tilespmem:$0x4080] =	vst v63  }
0x46: {  	_ =	swait.ge [sflag:s6], $0x4000  }
0x47: {  	s8 =	sshll.u32 s8, $0x4;
	[sflag:s6] =	ssyncset.done $0x0  }
0x48: {  	s8 =	sadd.s32 s0, s8;
	[sflag:s6] =	ssyncadd.s32 $0xFFFFC000  }
0x49: {  	[hbm4b:s8+s2] =	stream.linear.scatter [tilespmem:s5], [sflag:$0x2], $0x4000, $0x38;
	[tilespmem:$0x4080] =	vst v63  }
0x4a: {  	s10 =	sor.u32 $0x280, s1;
	_ =	swait.ge [sflag:s3], $0x4000  }
0x4b: {  	s9 =	sshrl.u32 s10, $0x3;
	[sflag:s3] =	ssyncset.done $0x0  }
0x4c: {  	s9 =	sadd.s32 s30, s9;
	[sflag:s3] =	ssyncadd.s32 $0xFFFFC000  }
0x4d: {  	[tilespmem:s2], [sflag:$0x2] =	stream.linear.gather [hbm4b:s9+s2], $0x80, $0x38;
	[tilespmem:$0x4080] =	vst v63  }
0x4e: {  	_ =	swait.ge [sflag:s3], $0x80  }
0x4f: {  	[sflag:s3] =	ssyncset.done $0x0  }
0x50: {  	[sflag:s3] =	ssyncadd.s32 $0xFFFFFF80  }
0x51: {  	[tilespmem:s5], [sflag:$0x1] =	stream.indirect.gather [hbm4b:s4+s5], $0x80, s2, s5, $0xb8;
	[tilespmem:$0x4080] =	vst v63  }
0x52: {  	_ =	swait.ge [sflag:s6], $0x4000  }
0x53: {  	s10 =	sshll.u32 s10, $0x4;
	[sflag:s6] =	ssyncset.done $0x0  }
0x54: {  	s10 =	sadd.s32 s0, s10;
	[sflag:s6] =	ssyncadd.s32 $0xFFFFC000  }
0x55: {  	[hbm4b:s10+s2] =	stream.linear.scatter [tilespmem:s5], [sflag:$0x2], $0x4000, $0x38;
	[tilespmem:$0x4080] =	vst v63  }
0x56: {  	s12 =	sor.u32 $0x300, s1;
	_ =	swait.ge [sflag:s3], $0x4000  }
0x57: {  	s11 =	sshrl.u32 s12, $0x3;
	[sflag:s3] =	ssyncset.done $0x0  }
0x58: {  	s11 =	sadd.s32 s30, s11;
	[sflag:s3] =	ssyncadd.s32 $0xFFFFC000  }
0x59: {  	[tilespmem:s2], [sflag:$0x2] =	stream.linear.gather [hbm4b:s11+s2], $0x80, $0x38;
	[tilespmem:$0x4080] =	vst v63  }
0x5a: {  	_ =	swait.ge [sflag:s3], $0x80  }
0x5b: {  	[sflag:s3] =	ssyncset.done $0x0  }
0x5c: {  	[sflag:s3] =	ssyncadd.s32 $0xFFFFFF80  }
0x5d: {  	[tilespmem:s5], [sflag:$0x1] =	stream.indirect.gather [hbm4b:s4+s5], $0x80, s2, s5, $0xb8;
	[tilespmem:$0x4080] =	vst v63  }
0x5e: {  	_ =	swait.ge [sflag:s6], $0x4000  }
0x5f: {  	s12 =	sshll.u32 s12, $0x4;
	[sflag:s6] =	ssyncset.done $0x0  }
0x60: {  	s12 =	sadd.s32 s0, s12;
	[sflag:s6] =	ssyncadd.s32 $0xFFFFC000  }
0x61: {  	[hbm4b:s12+s2] =	stream.linear.scatter [tilespmem:s5], [sflag:$0x2], $0x4000, $0x38;
	[tilespmem:$0x4080] =	vst v63  }
0x62: {  	s14 =	sor.u32 $0x380, s1;
	_ =	swait.ge [sflag:s3], $0x4000  }
0x63: {  	s13 =	sshrl.u32 s14, $0x3;
	[sflag:s3] =	ssyncset.done $0x0  }
0x64: {  	s13 =	sadd.s32 s30, s13;
	[sflag:s3] =	ssyncadd.s32 $0xFFFFC000  }
0x65: {  	[tilespmem:s2], [sflag:$0x2] =	stream.linear.gather [hbm4b:s13+s2], $0x80, $0x38;
	[tilespmem:$0x4080] =	vst v63  }
0x66: {  	_ =	swait.ge [sflag:s3], $0x80  }
0x67: {  	[sflag:s3] =	ssyncset.done $0x0  }
0x68: {  	[sflag:s3] =	ssyncadd.s32 $0xFFFFFF80  }
0x69: {  	[tilespmem:s5], [sflag:$0x1] =	stream.indirect.gather [hbm4b:s4+s5], $0x80, s2, s5, $0xb8;
	[tilespmem:$0x4080] =	vst v63  }
0x6a: {  	_ =	swait.ge [sflag:s6], $0x4000  }
0x6b: {  	s14 =	sshll.u32 s14, $0x4;
	[sflag:s6] =	ssyncset.done $0x0  }
0x6c: {  	s14 =	sadd.s32 s0, s14;
	[sflag:s6] =	ssyncadd.s32 $0xFFFFC000  }
0x6d: {  	[hbm4b:s14+s2] =	stream.linear.scatter [tilespmem:s5], [sflag:$0x2], $0x4000, $0x38;
	[tilespmem:$0x4080] =	vst v63  }
0x6e: {  	s16 =	sor.u32 $0x400, s1;
	_ =	swait.ge [sflag:s3], $0x4000  }
0x6f: {  	s15 =	sshrl.u32 s16, $0x3;
	[sflag:s3] =	ssyncset.done $0x0  }
0x70: {  	s15 =	sadd.s32 s30, s15;
	[sflag:s3] =	ssyncadd.s32 $0xFFFFC000  }
0x71: {  	[tilespmem:s2], [sflag:$0x2] =	stream.linear.gather [hbm4b:s15+s2], $0x80, $0x38;
	[tilespmem:$0x4080] =	vst v63  }
0x72: {  	_ =	swait.ge [sflag:s3], $0x80  }
0x73: {  	[sflag:s3] =	ssyncset.done $0x0  }
0x74: {  	[sflag:s3] =	ssyncadd.s32 $0xFFFFFF80  }
0x75: {  	[tilespmem:s5], [sflag:$0x1] =	stream.indirect.gather [hbm4b:s4+s5], $0x80, s2, s5, $0xb8;
	[tilespmem:$0x4080] =	vst v63  }
0x76: {  	_ =	swait.ge [sflag:s6], $0x4000  }
0x77: {  	s16 =	sshll.u32 s16, $0x4;
	[sflag:s6] =	ssyncset.done $0x0  }
0x78: {  	s16 =	sadd.s32 s0, s16;
	[sflag:s6] =	ssyncadd.s32 $0xFFFFC000  }
0x79: {  	[hbm4b:s16+s2] =	stream.linear.scatter [tilespmem:s5], [sflag:$0x2], $0x4000, $0x38;
	[tilespmem:$0x4080] =	vst v63  }
0x7a: {  	s18 =	sor.u32 $0x480, s1;
	_ =	swait.ge [sflag:s3], $0x4000  }
0x7b: {  	s17 =	sshrl.u32 s18, $0x3;
	[sflag:s3] =	ssyncset.done $0x0  }
0x7c: {  	s17 =	sadd.s32 s30, s17;
	[sflag:s3] =	ssyncadd.s32 $0xFFFFC000  }
0x7d: {  	[tilespmem:s2], [sflag:$0x2] =	stream.linear.gather [hbm4b:s17+s2], $0x80, $0x38;
	[tilespmem:$0x4080] =	vst v63  }
0x7e: {  	_ =	swait.ge [sflag:s3], $0x80  }
0x7f: {  	[sflag:s3] =	ssyncset.done $0x0  }
0x80: {  	[sflag:s3] =	ssyncadd.s32 $0xFFFFFF80  }
0x81: {  	[tilespmem:s5], [sflag:$0x1] =	stream.indirect.gather [hbm4b:s4+s5], $0x80, s2, s5, $0xb8;
	[tilespmem:$0x4080] =	vst v63  }
0x82: {  	_ =	swait.ge [sflag:s6], $0x4000  }
0x83: {  	s18 =	sshll.u32 s18, $0x4;
	[sflag:s6] =	ssyncset.done $0x0  }
0x84: {  	s18 =	sadd.s32 s0, s18;
	[sflag:s6] =	ssyncadd.s32 $0xFFFFC000  }
0x85: {  	[hbm4b:s18+s2] =	stream.linear.scatter [tilespmem:s5], [sflag:$0x2], $0x4000, $0x38;
	[tilespmem:$0x4080] =	vst v63  }
0x86: {  	s20 =	sor.u32 $0x500, s1;
	_ =	swait.ge [sflag:s3], $0x4000  }
0x87: {  	s19 =	sshrl.u32 s20, $0x3;
	[sflag:s3] =	ssyncset.done $0x0  }
0x88: {  	s19 =	sadd.s32 s30, s19;
	[sflag:s3] =	ssyncadd.s32 $0xFFFFC000  }
0x89: {  	[tilespmem:s2], [sflag:$0x2] =	stream.linear.gather [hbm4b:s19+s2], $0x80, $0x38;
	[tilespmem:$0x4080] =	vst v63  }
0x8a: {  	_ =	swait.ge [sflag:s3], $0x80  }
0x8b: {  	[sflag:s3] =	ssyncset.done $0x0  }
0x8c: {  	[sflag:s3] =	ssyncadd.s32 $0xFFFFFF80  }
0x8d: {  	[tilespmem:s5], [sflag:$0x1] =	stream.indirect.gather [hbm4b:s4+s5], $0x80, s2, s5, $0xb8;
	[tilespmem:$0x4080] =	vst v63  }
0x8e: {  	_ =	swait.ge [sflag:s6], $0x4000  }
0x8f: {  	s20 =	sshll.u32 s20, $0x4;
	[sflag:s6] =	ssyncset.done $0x0  }
0x90: {  	s20 =	sadd.s32 s0, s20;
	[sflag:s6] =	ssyncadd.s32 $0xFFFFC000  }
0x91: {  	[hbm4b:s20+s2] =	stream.linear.scatter [tilespmem:s5], [sflag:$0x2], $0x4000, $0x38;
	[tilespmem:$0x4080] =	vst v63  }
0x92: {  	s22 =	sor.u32 $0x580, s1;
	_ =	swait.ge [sflag:s3], $0x4000  }
0x93: {  	s21 =	sshrl.u32 s22, $0x3;
	[sflag:s3] =	ssyncset.done $0x0  }
0x94: {  	s21 =	sadd.s32 s30, s21;
	[sflag:s3] =	ssyncadd.s32 $0xFFFFC000  }
0x95: {  	[tilespmem:s2], [sflag:$0x2] =	stream.linear.gather [hbm4b:s21+s2], $0x80, $0x38;
	[tilespmem:$0x4080] =	vst v63  }
0x96: {  	_ =	swait.ge [sflag:s3], $0x80  }
0x97: {  	[sflag:s3] =	ssyncset.done $0x0  }
0x98: {  	[sflag:s3] =	ssyncadd.s32 $0xFFFFFF80  }
0x99: {  	[tilespmem:s5], [sflag:$0x1] =	stream.indirect.gather [hbm4b:s4+s5], $0x80, s2, s5, $0xb8;
	[tilespmem:$0x4080] =	vst v63  }
0x9a: {  	_ =	swait.ge [sflag:s6], $0x4000  }
0x9b: {  	s22 =	sshll.u32 s22, $0x4;
	[sflag:s6] =	ssyncset.done $0x0  }
0x9c: {  	s22 =	sadd.s32 s0, s22;
	[sflag:s6] =	ssyncadd.s32 $0xFFFFC000  }
0x9d: {  	[hbm4b:s22+s2] =	stream.linear.scatter [tilespmem:s5], [sflag:$0x2], $0x4000, $0x38;
	[tilespmem:$0x4080] =	vst v63  }
0x9e: {  	s24 =	sor.u32 $0x600, s1;
	_ =	swait.ge [sflag:s3], $0x4000  }
0x9f: {  	s23 =	sshrl.u32 s24, $0x3;
	[sflag:s3] =	ssyncset.done $0x0  }
0xa0: {  	s23 =	sadd.s32 s30, s23;
	[sflag:s3] =	ssyncadd.s32 $0xFFFFC000  }
0xa1: {  	[tilespmem:s2], [sflag:$0x2] =	stream.linear.gather [hbm4b:s23+s2], $0x80, $0x38;
	[tilespmem:$0x4080] =	vst v63  }
0xa2: {  	_ =	swait.ge [sflag:s3], $0x80  }
0xa3: {  	[sflag:s3] =	ssyncset.done $0x0  }
0xa4: {  	[sflag:s3] =	ssyncadd.s32 $0xFFFFFF80  }
0xa5: {  	[tilespmem:s5], [sflag:$0x1] =	stream.indirect.gather [hbm4b:s4+s5], $0x80, s2, s5, $0xb8;
	[tilespmem:$0x4080] =	vst v63  }
0xa6: {  	_ =	swait.ge [sflag:s6], $0x4000  }
0xa7: {  	s24 =	sshll.u32 s24, $0x4;
	[sflag:s6] =	ssyncset.done $0x0  }
0xa8: {  	s24 =	sadd.s32 s0, s24;
	[sflag:s6] =	ssyncadd.s32 $0xFFFFC000  }
0xa9: {  	[hbm4b:s24+s2] =	stream.linear.scatter [tilespmem:s5], [sflag:$0x2], $0x4000, $0x38;
	[tilespmem:$0x4080] =	vst v63  }
0xaa: {  	s26 =	sor.u32 $0x680, s1;
	_ =	swait.ge [sflag:s3], $0x4000  }
0xab: {  	s25 =	sshrl.u32 s26, $0x3;
	[sflag:s3] =	ssyncset.done $0x0  }
0xac: {  	s25 =	sadd.s32 s30, s25;
	[sflag:s3] =	ssyncadd.s32 $0xFFFFC000  }
0xad: {  	[tilespmem:s2], [sflag:$0x2] =	stream.linear.gather [hbm4b:s25+s2], $0x80, $0x38;
	[tilespmem:$0x4080] =	vst v63  }
0xae: {  	_ =	swait.ge [sflag:s3], $0x80  }
0xaf: {  	[sflag:s3] =	ssyncset.done $0x0  }
0xb0: {  	[sflag:s3] =	ssyncadd.s32 $0xFFFFFF80  }
0xb1: {  	[tilespmem:s5], [sflag:$0x1] =	stream.indirect.gather [hbm4b:s4+s5], $0x80, s2, s5, $0xb8;
	[tilespmem:$0x4080] =	vst v63  }
0xb2: {  	_ =	swait.ge [sflag:s6], $0x4000  }
0xb3: {  	s26 =	sshll.u32 s26, $0x4;
	[sflag:s6] =	ssyncset.done $0x0  }
0xb4: {  	s26 =	sadd.s32 s0, s26;
	[sflag:s6] =	ssyncadd.s32 $0xFFFFC000  }
0xb5: {  	[hbm4b:s26+s2] =	stream.linear.scatter [tilespmem:s5], [sflag:$0x2], $0x4000, $0x38;
	[tilespmem:$0x4080] =	vst v63  }
0xb6: {  	s29 =	sor.u32 $0x700, s1;
	_ =	swait.ge [sflag:s3], $0x4000  }
0xb7: {  	s28 =	sshrl.u32 s29, $0x3;
	[sflag:s3] =	ssyncset.done $0x0  }
0xb8: {  	s28 =	sadd.s32 s30, s28;
	[sflag:s3] =	ssyncadd.s32 $0xFFFFC000  }
0xb9: {  	[tilespmem:s2], [sflag:$0x2] =	stream.linear.gather [hbm4b:s28+s2], $0x80, $0x38;
	[tilespmem:$0x4080] =	vst v63  }
0xba: {  	_ =	swait.ge [sflag:s3], $0x80  }
0xbb: {  	[sflag:s3] =	ssyncset.done $0x0  }
0xbc: {  	[sflag:s3] =	ssyncadd.s32 $0xFFFFFF80  }
0xbd: {  	[tilespmem:s5], [sflag:$0x1] =	stream.indirect.gather [hbm4b:s4+s5], $0x80, s2, s5, $0xb8;
	[tilespmem:$0x4080] =	vst v63  }
0xbe: {  	_ =	swait.ge [sflag:s6], $0x4000  }
0xbf: {  	s29 =	sshll.u32 s29, $0x4;
	[sflag:s6] =	ssyncset.done $0x0  }
0xc0: {  	s29 =	sadd.s32 s0, s29;
	[sflag:s6] =	ssyncadd.s32 $0xFFFFC000  }
0xc1: {  	[hbm4b:s29+s2] =	stream.linear.scatter [tilespmem:s5], [sflag:$0x2], $0x4000, $0x38;
	[tilespmem:$0x4080] =	vst v63  }
0xc2: {  	s1 =	sor.u32 $0x780, s1;
	_ =	swait.ge [sflag:s3], $0x4000  }
0xc3: {  	s31 =	sshrl.u32 s1, $0x3;
	[sflag:s3] =	ssyncset.done $0x0  }
0xc4: {  	s30 =	sadd.s32 s30, s31;
	[sflag:s3] =	ssyncadd.s32 $0xFFFFC000  }
0xc5: {  	[tilespmem:s2], [sflag:$0x2] =	stream.linear.gather [hbm4b:s30+s2], $0x80, $0x38;
	[tilespmem:$0x4080] =	vst v63  }
0xc6: {  	_ =	swait.ge [sflag:s3], $0x80  }
0xc7: {  	[sflag:s3] =	ssyncset.done $0x0;
	s0 =	rddreg [dreg:$0xb]  }
0xc8: {  	s31 =	ssub.s32 $0x2, s0;
	[sflag:s3] =	ssyncadd.s32 $0xFFFFFF80  }
0xc9: {  	[tilespmem:s5], [sflag:$0x1] =	stream.indirect.gather [hbm4b:s4+s5], $0x80, s2, s5, $0xb8;
	[tilespmem:$0x4080] =	vst v63  }
0xca: {  	s0 =	sshrl.u32 s31, $0x1  }
0xcb: {  	s0 =	ssub.s32 s31, s0  }
0xcc: {  	s0 =	smax.u32 s0, $0x1  }
0xcd: {  	p0 =	sne.s32 s0, $0x1  }
.Ltmp0:
0xce: {  	_ =	swait.ge [sflag:s6], $0x4000;
	(pc) =	sbr.rel @!p0 .LBB2_2-.Ltmp0, $4  }
0xcf: {  	s1 =	sshll.u32 s1, $0x4;
	[sflag:s6] =	ssyncset.done $0x0;
	s31 =	rddreg [dreg:$0xc]  }
0xd0: {  	s31 =	sadd.s32 s31, s1;
	[sflag:s6] =	ssyncadd.s32 $0xFFFFC000  }
0xd1: {  	[hbm4b:s31+s2] =	stream.linear.scatter [tilespmem:s5], [sflag:$0x2], $0x4000, $0x38;
	[tilespmem:$0x4080] =	vst v63  }
0xd2: {  	s0 =	sadd.s32 $0xFFFFFFFF, s0;
	_ =	swait.ge [sflag:s3], $0x4000  }
.LBB2_1:
0xd3: {  	[sflag:s3] =	ssyncset.done $0x0  }
0xd4: {  	s1 =	rddreg [dreg:$0x3];
	[sflag:s3] =	ssyncadd.s32 $0xFFFFC000  }
0xd5: {  	[tilespmem:s2], [sflag:$0x2] =	stream.linear.gather [hbm4b:s1+s2], $0x80, $0x38;
	[tilespmem:$0x4080] =	vst v63  }
0xd6: {  	_ =	swait.ge [sflag:s3], $0x80  }
0xd7: {  	[sflag:s3] =	ssyncset.done $0x0  }
0xd8: {  	[sflag:s3] =	ssyncadd.s32 $0xFFFFFF80  }
0xd9: {  	[tilespmem:s5], [sflag:$0x1] =	stream.indirect.gather [hbm4b:s4+s5], $0x80, s2, s5, $0xb8;
	[tilespmem:$0x4080] =	vst v63  }
0xda: {  	_ =	swait.ge [sflag:s6], $0x4000  }
0xdb: {  	[sflag:s6] =	ssyncset.done $0x0  }
0xdc: {  	s1 =	rddreg [dreg:$0x4];
	[sflag:s6] =	ssyncadd.s32 $0xFFFFC000  }
0xdd: {  	[hbm4b:s1+s2] =	stream.linear.scatter [tilespmem:s5], [sflag:$0x2], $0x4000, $0x38;
	[tilespmem:$0x4080] =	vst v63  }
0xde: {  	_ =	swait.ge [sflag:s3], $0x4000  }
0xdf: {  	[sflag:s3] =	ssyncset.done $0x0  }
0xe0: {  	s1 =	rddreg [dreg:$0x5];
	[sflag:s3] =	ssyncadd.s32 $0xFFFFC000  }
0xe1: {  	[tilespmem:s2], [sflag:$0x2] =	stream.linear.gather [hbm4b:s1+s2], $0x80, $0x38;
	[tilespmem:$0x4080] =	vst v63  }
0xe2: {  	_ =	swait.ge [sflag:s3], $0x80  }
0xe3: {  	[sflag:s3] =	ssyncset.done $0x0  }
0xe4: {  	[sflag:s3] =	ssyncadd.s32 $0xFFFFFF80  }
0xe5: {  	[tilespmem:s5], [sflag:$0x1] =	stream.indirect.gather [hbm4b:s4+s5], $0x80, s2, s5, $0xb8;
	[tilespmem:$0x4080] =	vst v63  }
0xe6: {  	_ =	swait.ge [sflag:s6], $0x4000  }
0xe7: {  	[sflag:s6] =	ssyncset.done $0x0  }
0xe8: {  	s1 =	rddreg [dreg:$0x6];
	[sflag:s6] =	ssyncadd.s32 $0xFFFFC000  }
0xe9: {  	[hbm4b:s1+s2] =	stream.linear.scatter [tilespmem:s5], [sflag:$0x2], $0x4000, $0x38;
	[tilespmem:$0x4080] =	vst v63  }
0xea: {  	_ =	swait.ge [sflag:s3], $0x4000  }
0xeb: {  	[sflag:s3] =	ssyncset.done $0x0  }
0xec: {  	s1 =	rddreg [dreg:$0x7];
	[sflag:s3] =	ssyncadd.s32 $0xFFFFC000  }
0xed: {  	[tilespmem:s2], [sflag:$0x2] =	stream.linear.gather [hbm4b:s1+s2], $0x80, $0x38;
	[tilespmem:$0x4080] =	vst v63  }
0xee: {  	_ =	swait.ge [sflag:s3], $0x80  }
0xef: {  	[sflag:s3] =	ssyncset.done $0x0  }
0xf0: {  	[sflag:s3] =	ssyncadd.s32 $0xFFFFFF80  }
0xf1: {  	[tilespmem:s5], [sflag:$0x1] =	stream.indirect.gather [hbm4b:s4+s5], $0x80, s2, s5, $0xb8;
	[tilespmem:$0x4080] =	vst v63  }
0xf2: {  	_ =	swait.ge [sflag:s6], $0x4000  }
0xf3: {  	[sflag:s6] =	ssyncset.done $0x0  }
0xf4: {  	s1 =	rddreg [dreg:$0x8];
	[sflag:s6] =	ssyncadd.s32 $0xFFFFC000  }
0xf5: {  	[hbm4b:s1+s2] =	stream.linear.scatter [tilespmem:s5], [sflag:$0x2], $0x4000, $0x38;
	[tilespmem:$0x4080] =	vst v63  }
0xf6: {  	_ =	swait.ge [sflag:s3], $0x4000  }
0xf7: {  	[sflag:s3] =	ssyncset.done $0x0  }
0xf8: {  	s1 =	rddreg [dreg:$0x9];
	[sflag:s3] =	ssyncadd.s32 $0xFFFFC000  }
0xf9: {  	[tilespmem:s2], [sflag:$0x2] =	stream.linear.gather [hbm4b:s1+s2], $0x80, $0x38;
	[tilespmem:$0x4080] =	vst v63  }
0xfa: {  	_ =	swait.ge [sflag:s3], $0x80  }
0xfb: {  	[sflag:s3] =	ssyncset.done $0x0  }
0xfc: {  	[sflag:s3] =	ssyncadd.s32 $0xFFFFFF80  }
0xfd: {  	[tilespmem:s5], [sflag:$0x1] =	stream.indirect.gather [hbm4b:s4+s5], $0x80, s2, s5, $0xb8;
	[tilespmem:$0x4080] =	vst v63  }
0xfe: {  	_ =	swait.ge [sflag:s6], $0x4000  }
0xff: {  	[sflag:s6] =	ssyncset.done $0x0  }
0x100: {  	s1 =	rddreg [dreg:$0xa];
	[sflag:s6] =	ssyncadd.s32 $0xFFFFC000  }
0x101: {  	[hbm4b:s1+s2] =	stream.linear.scatter [tilespmem:s5], [sflag:$0x2], $0x4000, $0x38;
	[tilespmem:$0x4080] =	vst v63  }
0x102: {  	_ =	swait.ge [sflag:s3], $0x4000  }
0x103: {  	[sflag:s3] =	ssyncset.done $0x0  }
0x104: {  	[sflag:s3] =	ssyncadd.s32 $0xFFFFC000  }
0x105: {  	[tilespmem:s2], [sflag:$0x2] =	stream.linear.gather [hbm4b:s7+s2], $0x80, $0x38;
	[tilespmem:$0x4080] =	vst v63  }
0x106: {  	_ =	swait.ge [sflag:s3], $0x80  }
0x107: {  	[sflag:s3] =	ssyncset.done $0x0  }
0x108: {  	[sflag:s3] =	ssyncadd.s32 $0xFFFFFF80  }
0x109: {  	[tilespmem:s5], [sflag:$0x1] =	stream.indirect.gather [hbm4b:s4+s5], $0x80, s2, s5, $0xb8;
	[tilespmem:$0x4080] =	vst v63  }
0x10a: {  	_ =	swait.ge [sflag:s6], $0x4000  }
0x10b: {  	[sflag:s6] =	ssyncset.done $0x0  }
0x10c: {  	[sflag:s6] =	ssyncadd.s32 $0xFFFFC000  }
0x10d: {  	[hbm4b:s8+s2] =	stream.linear.scatter [tilespmem:s5], [sflag:$0x2], $0x4000, $0x38;
	[tilespmem:$0x4080] =	vst v63  }
0x10e: {  	_ =	swait.ge [sflag:s3], $0x4000  }
0x10f: {  	[sflag:s3] =	ssyncset.done $0x0  }
0x110: {  	[sflag:s3] =	ssyncadd.s32 $0xFFFFC000  }
0x111: {  	[tilespmem:s2], [sflag:$0x2] =	stream.linear.gather [hbm4b:s9+s2], $0x80, $0x38;
	[tilespmem:$0x4080] =	vst v63  }
0x112: {  	_ =	swait.ge [sflag:s3], $0x80  }
0x113: {  	[sflag:s3] =	ssyncset.done $0x0  }
0x114: {  	[sflag:s3] =	ssyncadd.s32 $0xFFFFFF80  }
0x115: {  	[tilespmem:s5], [sflag:$0x1] =	stream.indirect.gather [hbm4b:s4+s5], $0x80, s2, s5, $0xb8;
	[tilespmem:$0x4080] =	vst v63  }
0x116: {  	_ =	swait.ge [sflag:s6], $0x4000  }
0x117: {  	[sflag:s6] =	ssyncset.done $0x0  }
0x118: {  	[sflag:s6] =	ssyncadd.s32 $0xFFFFC000  }
0x119: {  	[hbm4b:s10+s2] =	stream.linear.scatter [tilespmem:s5], [sflag:$0x2], $0x4000, $0x38;
	[tilespmem:$0x4080] =	vst v63  }
0x11a: {  	_ =	swait.ge [sflag:s3], $0x4000  }
0x11b: {  	[sflag:s3] =	ssyncset.done $0x0  }
0x11c: {  	[sflag:s3] =	ssyncadd.s32 $0xFFFFC000  }
0x11d: {  	[tilespmem:s2], [sflag:$0x2] =	stream.linear.gather [hbm4b:s11+s2], $0x80, $0x38;
	[tilespmem:$0x4080] =	vst v63  }
0x11e: {  	_ =	swait.ge [sflag:s3], $0x80  }
0x11f: {  	[sflag:s3] =	ssyncset.done $0x0  }
0x120: {  	[sflag:s3] =	ssyncadd.s32 $0xFFFFFF80  }
0x121: {  	[tilespmem:s5], [sflag:$0x1] =	stream.indirect.gather [hbm4b:s4+s5], $0x80, s2, s5, $0xb8;
	[tilespmem:$0x4080] =	vst v63  }
0x122: {  	_ =	swait.ge [sflag:s6], $0x4000  }
0x123: {  	[sflag:s6] =	ssyncset.done $0x0  }
0x124: {  	[sflag:s6] =	ssyncadd.s32 $0xFFFFC000  }
0x125: {  	[hbm4b:s12+s2] =	stream.linear.scatter [tilespmem:s5], [sflag:$0x2], $0x4000, $0x38;
	[tilespmem:$0x4080] =	vst v63  }
0x126: {  	_ =	swait.ge [sflag:s3], $0x4000  }
0x127: {  	[sflag:s3] =	ssyncset.done $0x0  }
0x128: {  	[sflag:s3] =	ssyncadd.s32 $0xFFFFC000  }
0x129: {  	[tilespmem:s2], [sflag:$0x2] =	stream.linear.gather [hbm4b:s13+s2], $0x80, $0x38;
	[tilespmem:$0x4080] =	vst v63  }
0x12a: {  	_ =	swait.ge [sflag:s3], $0x80  }
0x12b: {  	[sflag:s3] =	ssyncset.done $0x0  }
0x12c: {  	[sflag:s3] =	ssyncadd.s32 $0xFFFFFF80  }
0x12d: {  	[tilespmem:s5], [sflag:$0x1] =	stream.indirect.gather [hbm4b:s4+s5], $0x80, s2, s5, $0xb8;
	[tilespmem:$0x4080] =	vst v63  }
0x12e: {  	_ =	swait.ge [sflag:s6], $0x4000  }
0x12f: {  	[sflag:s6] =	ssyncset.done $0x0  }
0x130: {  	[sflag:s6] =	ssyncadd.s32 $0xFFFFC000  }
0x131: {  	[hbm4b:s14+s2] =	stream.linear.scatter [tilespmem:s5], [sflag:$0x2], $0x4000, $0x38;
	[tilespmem:$0x4080] =	vst v63  }
0x132: {  	_ =	swait.ge [sflag:s3], $0x4000  }
0x133: {  	[sflag:s3] =	ssyncset.done $0x0  }
0x134: {  	[sflag:s3] =	ssyncadd.s32 $0xFFFFC000  }
0x135: {  	[tilespmem:s2], [sflag:$0x2] =	stream.linear.gather [hbm4b:s15+s2], $0x80, $0x38;
	[tilespmem:$0x4080] =	vst v63  }
0x136: {  	_ =	swait.ge [sflag:s3], $0x80  }
0x137: {  	[sflag:s3] =	ssyncset.done $0x0  }
0x138: {  	[sflag:s3] =	ssyncadd.s32 $0xFFFFFF80  }
0x139: {  	[tilespmem:s5], [sflag:$0x1] =	stream.indirect.gather [hbm4b:s4+s5], $0x80, s2, s5, $0xb8;
	[tilespmem:$0x4080] =	vst v63  }
0x13a: {  	_ =	swait.ge [sflag:s6], $0x4000  }
0x13b: {  	[sflag:s6] =	ssyncset.done $0x0  }
0x13c: {  	[sflag:s6] =	ssyncadd.s32 $0xFFFFC000  }
0x13d: {  	[hbm4b:s16+s2] =	stream.linear.scatter [tilespmem:s5], [sflag:$0x2], $0x4000, $0x38;
	[tilespmem:$0x4080] =	vst v63  }
0x13e: {  	_ =	swait.ge [sflag:s3], $0x4000  }
0x13f: {  	[sflag:s3] =	ssyncset.done $0x0  }
0x140: {  	[sflag:s3] =	ssyncadd.s32 $0xFFFFC000  }
0x141: {  	[tilespmem:s2], [sflag:$0x2] =	stream.linear.gather [hbm4b:s17+s2], $0x80, $0x38;
	[tilespmem:$0x4080] =	vst v63  }
0x142: {  	_ =	swait.ge [sflag:s3], $0x80  }
0x143: {  	[sflag:s3] =	ssyncset.done $0x0  }
0x144: {  	[sflag:s3] =	ssyncadd.s32 $0xFFFFFF80  }
0x145: {  	[tilespmem:s5], [sflag:$0x1] =	stream.indirect.gather [hbm4b:s4+s5], $0x80, s2, s5, $0xb8;
	[tilespmem:$0x4080] =	vst v63  }
0x146: {  	_ =	swait.ge [sflag:s6], $0x4000  }
0x147: {  	[sflag:s6] =	ssyncset.done $0x0  }
0x148: {  	[sflag:s6] =	ssyncadd.s32 $0xFFFFC000  }
0x149: {  	[hbm4b:s18+s2] =	stream.linear.scatter [tilespmem:s5], [sflag:$0x2], $0x4000, $0x38;
	[tilespmem:$0x4080] =	vst v63  }
0x14a: {  	_ =	swait.ge [sflag:s3], $0x4000  }
0x14b: {  	[sflag:s3] =	ssyncset.done $0x0  }
0x14c: {  	[sflag:s3] =	ssyncadd.s32 $0xFFFFC000  }
0x14d: {  	[tilespmem:s2], [sflag:$0x2] =	stream.linear.gather [hbm4b:s19+s2], $0x80, $0x38;
	[tilespmem:$0x4080] =	vst v63  }
0x14e: {  	_ =	swait.ge [sflag:s3], $0x80  }
0x14f: {  	[sflag:s3] =	ssyncset.done $0x0  }
0x150: {  	[sflag:s3] =	ssyncadd.s32 $0xFFFFFF80  }
0x151: {  	[tilespmem:s5], [sflag:$0x1] =	stream.indirect.gather [hbm4b:s4+s5], $0x80, s2, s5, $0xb8;
	[tilespmem:$0x4080] =	vst v63  }
0x152: {  	_ =	swait.ge [sflag:s6], $0x4000  }
0x153: {  	[sflag:s6] =	ssyncset.done $0x0  }
0x154: {  	[sflag:s6] =	ssyncadd.s32 $0xFFFFC000  }
0x155: {  	[hbm4b:s20+s2] =	stream.linear.scatter [tilespmem:s5], [sflag:$0x2], $0x4000, $0x38;
	[tilespmem:$0x4080] =	vst v63  }
0x156: {  	_ =	swait.ge [sflag:s3], $0x4000  }
0x157: {  	[sflag:s3] =	ssyncset.done $0x0  }
0x158: {  	[sflag:s3] =	ssyncadd.s32 $0xFFFFC000  }
0x159: {  	[tilespmem:s2], [sflag:$0x2] =	stream.linear.gather [hbm4b:s21+s2], $0x80, $0x38;
	[tilespmem:$0x4080] =	vst v63  }
0x15a: {  	_ =	swait.ge [sflag:s3], $0x80  }
0x15b: {  	[sflag:s3] =	ssyncset.done $0x0  }
0x15c: {  	[sflag:s3] =	ssyncadd.s32 $0xFFFFFF80  }
0x15d: {  	[tilespmem:s5], [sflag:$0x1] =	stream.indirect.gather [hbm4b:s4+s5], $0x80, s2, s5, $0xb8;
	[tilespmem:$0x4080] =	vst v63  }
0x15e: {  	_ =	swait.ge [sflag:s6], $0x4000  }
0x15f: {  	[sflag:s6] =	ssyncset.done $0x0  }
0x160: {  	[sflag:s6] =	ssyncadd.s32 $0xFFFFC000  }
0x161: {  	[hbm4b:s22+s2] =	stream.linear.scatter [tilespmem:s5], [sflag:$0x2], $0x4000, $0x38;
	[tilespmem:$0x4080] =	vst v63  }
0x162: {  	_ =	swait.ge [sflag:s3], $0x4000  }
0x163: {  	[sflag:s3] =	ssyncset.done $0x0  }
0x164: {  	[sflag:s3] =	ssyncadd.s32 $0xFFFFC000  }
0x165: {  	[tilespmem:s2], [sflag:$0x2] =	stream.linear.gather [hbm4b:s23+s2], $0x80, $0x38;
	[tilespmem:$0x4080] =	vst v63  }
0x166: {  	_ =	swait.ge [sflag:s3], $0x80  }
0x167: {  	[sflag:s3] =	ssyncset.done $0x0  }
0x168: {  	[sflag:s3] =	ssyncadd.s32 $0xFFFFFF80  }
0x169: {  	[tilespmem:s5], [sflag:$0x1] =	stream.indirect.gather [hbm4b:s4+s5], $0x80, s2, s5, $0xb8;
	[tilespmem:$0x4080] =	vst v63  }
0x16a: {  	_ =	swait.ge [sflag:s6], $0x4000  }
0x16b: {  	[sflag:s6] =	ssyncset.done $0x0  }
0x16c: {  	[sflag:s6] =	ssyncadd.s32 $0xFFFFC000  }
0x16d: {  	[hbm4b:s24+s2] =	stream.linear.scatter [tilespmem:s5], [sflag:$0x2], $0x4000, $0x38;
	[tilespmem:$0x4080] =	vst v63  }
0x16e: {  	_ =	swait.ge [sflag:s3], $0x4000  }
0x16f: {  	[sflag:s3] =	ssyncset.done $0x0  }
0x170: {  	[sflag:s3] =	ssyncadd.s32 $0xFFFFC000  }
0x171: {  	[tilespmem:s2], [sflag:$0x2] =	stream.linear.gather [hbm4b:s25+s2], $0x80, $0x38;
	[tilespmem:$0x4080] =	vst v63  }
0x172: {  	_ =	swait.ge [sflag:s3], $0x80  }
0x173: {  	[sflag:s3] =	ssyncset.done $0x0  }
0x174: {  	[sflag:s3] =	ssyncadd.s32 $0xFFFFFF80  }
0x175: {  	[tilespmem:s5], [sflag:$0x1] =	stream.indirect.gather [hbm4b:s4+s5], $0x80, s2, s5, $0xb8;
	[tilespmem:$0x4080] =	vst v63  }
0x176: {  	_ =	swait.ge [sflag:s6], $0x4000  }
0x177: {  	[sflag:s6] =	ssyncset.done $0x0  }
0x178: {  	[sflag:s6] =	ssyncadd.s32 $0xFFFFC000  }
0x179: {  	[hbm4b:s26+s2] =	stream.linear.scatter [tilespmem:s5], [sflag:$0x2], $0x4000, $0x38;
	[tilespmem:$0x4080] =	vst v63  }
0x17a: {  	_ =	swait.ge [sflag:s3], $0x4000  }
0x17b: {  	[sflag:s3] =	ssyncset.done $0x0  }
0x17c: {  	[sflag:s3] =	ssyncadd.s32 $0xFFFFC000  }
0x17d: {  	[tilespmem:s2], [sflag:$0x2] =	stream.linear.gather [hbm4b:s28+s2], $0x80, $0x38;
	[tilespmem:$0x4080] =	vst v63  }
0x17e: {  	_ =	swait.ge [sflag:s3], $0x80  }
0x17f: {  	[sflag:s3] =	ssyncset.done $0x0  }
0x180: {  	[sflag:s3] =	ssyncadd.s32 $0xFFFFFF80  }
0x181: {  	[tilespmem:s5], [sflag:$0x1] =	stream.indirect.gather [hbm4b:s4+s5], $0x80, s2, s5, $0xb8;
	[tilespmem:$0x4080] =	vst v63  }
0x182: {  	_ =	swait.ge [sflag:s6], $0x4000  }
0x183: {  	[sflag:s6] =	ssyncset.done $0x0  }
0x184: {  	[sflag:s6] =	ssyncadd.s32 $0xFFFFC000  }
0x185: {  	[hbm4b:s29+s2] =	stream.linear.scatter [tilespmem:s5], [sflag:$0x2], $0x4000, $0x38;
	[tilespmem:$0x4080] =	vst v63  }
0x186: {  	_ =	swait.ge [sflag:s3], $0x4000  }
0x187: {  	[sflag:s3] =	ssyncset.done $0x0  }
0x188: {  	[sflag:s3] =	ssyncadd.s32 $0xFFFFC000  }
0x189: {  	[tilespmem:s2], [sflag:$0x2] =	stream.linear.gather [hbm4b:s30+s2], $0x80, $0x38;
	[tilespmem:$0x4080] =	vst v63  }
0x18a: {  	_ =	swait.ge [sflag:s3], $0x80  }
0x18b: {  	[sflag:s3] =	ssyncset.done $0x0  }
0x18c: {  	p0 =	sne.s32 s0, $0x1;
	[sflag:s3] =	ssyncadd.s32 $0xFFFFFF80  }
0x18d: {  	[tilespmem:s5], [sflag:$0x1] =	stream.indirect.gather [hbm4b:s4+s5], $0x80, s2, s5, $0xb8;
	[tilespmem:$0x4080] =	vst v63  }
.Ltmp1:
0x18e: {  	_ =	swait.ge [sflag:s6], $0x4000;
	(pc) =	sbr.rel @p0 .LBB2_1-.Ltmp1, $4  }
0x18f: {  	[sflag:s6] =	ssyncset.done $0x0  }
0x190: {  	[sflag:s6] =	ssyncadd.s32 $0xFFFFC000  }
0x191: {  	[hbm4b:s31+s2] =	stream.linear.scatter [tilespmem:s5], [sflag:$0x2], $0x4000, $0x38;
	[tilespmem:$0x4080] =	vst v63  }
0x192: {  	s0 =	sadd.s32 $0xFFFFFFFF, s0;
	_ =	swait.ge [sflag:s3], $0x4000  }
.LBB2_2:
0x193: {  	[sflag:s3] =	ssyncset.done $0x0  }
0x194: {  	[sflag:s3] =	ssyncadd.s32 $0xFFFFC000  }
0x195: {  	_ =	sfence.sel $0x180000  }
0x196: {  	[bflag:$0x0] =	sbarrier.arrive $0xFFFF  }
0x197: {  	_ =	strace $0x90000047  }
0x198: {  	s0 =	stileid.u32;
	[bflag:$0x2] =	sbarrier.arrive $0xFFFF  }
0x199: {  	p0 =	sne.s32 s0, $0x0;
	s0 =	rddreg [dreg:$0x2]  }
0x19a: {  	s0 =	sadd.s32 @!p0 $0x100000, s0  }
0x19b: {  	[sflag:s0] =	ssyncadd.tile.s32 @!p0 $0x1;
	_ =	shalt  }
.Lfunc_end2:
_tile_overlayer_lowered:
.L_overlay_start_2:
0x19c: {  	(tag) =	ssettag $0x2  }
0x19d: {  	s0 =	rddreg [dreg:$0x0];
	s2 =	stileid.u32  }
0x19e: {  	s1 =	rddreg [dreg:$0x1];
	p0 =	sne.s32 s2, $0x0  }
0x19f: {  	s3 =	rddreg [dreg:$0x2];
	[bflag:$0x3] =	sbarrier.arrive $0xFFFF;
	s2 =	simm.s32 @!p0 $0x1C02  }
0x1a0: {  	[timem:s3], [sflag:s2] =	dma.local @!p0 [hbm:s0], s1  }
0x1a1: {  	s0 =	simm.s32 @!p0 $0x2  }
0x1a2: {  	_ =	swait.ge @!p0 [sflag:s0], s1  }
0x1a3: {  	s1 =	ssub.s32 @!p0 $0x0, s1;
	[sflag:s0] =	ssyncset.done @!p0 $0x0  }
0x1a4: {  	[sflag:s0] =	ssyncadd.s32 @!p0 s1  }
0x1a5: {  	[bflag:$0x3] =	sbarrier.arrive $0xFFFF  }
0x1a6: {  	_ =	shalt  }

</sc_bundles>
